<compile_context>
chip_gen: v7x
topology: tpu7x:2x2x1
jax: 0.10.2.dev20260603
libtpu: 0.0.44.dev20260713+nightly
codegen_flags: <defaults>
</compile_context>

<pallas_src>
import jax
import jax.numpy as jnp
from jax import lax
from jax.experimental import pallas as pl
from jax.experimental.pallas import tpu as pltpu
from jax.experimental.pallas import tpu_sc as plsc

B = 16384
D = 32
NC = 2
NS = 16
NW = NC * NS
BPW = B // NW
L = 16


def _sc_body(user_hbm, movie_hbm, uf_hbm, mf_hbm, out_hbm,
             uidx, midx, urows, mrows, outv, su, sm):
    wid = lax.axis_index("s") * NC + lax.axis_index("c")
    base = wid * BPW
    pltpu.sync_copy(user_hbm.at[pl.ds(base, BPW)], uidx)
    pltpu.sync_copy(movie_hbm.at[pl.ds(base, BPW)], midx)

    cu = pltpu.async_copy(uf_hbm.at[uidx], urows, su)
    cm = pltpu.async_copy(mf_hbm.at[midx], mrows, sm)
    cu.wait()
    cm.wait()

    lane = lax.iota(jnp.int32, L)

    @pl.loop(0, BPW, step=L)
    def _(i):
        acc = jnp.zeros((L,), jnp.float32)
        for k in range(L):
            u0 = urows[i + k, pl.ds(0, L)]
            u1 = urows[i + k, pl.ds(L, L)]
            m0 = mrows[i + k, pl.ds(0, L)]
            m1 = mrows[i + k, pl.ds(L, L)]
            s = jnp.sum(u0 * m0 + u1 * m1)
            acc = jnp.where(lane == k, s, acc)
        outv[pl.ds(i, L)] = acc

    pltpu.sync_copy(outv, out_hbm.at[pl.ds(base, BPW)])


def kernel(user, movie, user_factors, movie_factors):
    mesh = plsc.VectorSubcoreMesh(core_axis_name="c", subcore_axis_name="s")
    kern = pl.kernel(
        _sc_body,
        out_type=jax.ShapeDtypeStruct((B,), jnp.float32),
        mesh=mesh,
        compiler_params=pltpu.CompilerParams(use_tc_tiling_on_sc=False,
                                             needs_layout_passes=False),
        scratch_types=[
            pltpu.VMEM((BPW,), jnp.int32),
            pltpu.VMEM((BPW,), jnp.int32),
            pltpu.VMEM((BPW, D), jnp.float32),
            pltpu.VMEM((BPW, D), jnp.float32),
            pltpu.VMEM((BPW,), jnp.float32),
            pltpu.SemaphoreType.DMA,
            pltpu.SemaphoreType.DMA,
        ],
    )
    return kern(user.astype(jnp.int32), movie.astype(jnp.int32),
                user_factors, movie_factors)

# --- scband reference (transcript-rebuilt; emitter-appended) ---
"""Pipeline reference for scband-matrix-factorization-9680856285229 (READ-ONLY COPY).

The authoritative reference and input builder live on the scoring server;
editing this copy changes nothing except your own understanding.
"""

import jax, jax.numpy as jnp
import numpy as np

N_USERS = 1000000
N_MOVIES = 100000
N_FACTORS = 32
BATCH = 16384

def setup_inputs(seed: int = 0) -> dict:
    key = jax.random.key(seed)
    k1, k2, k3, k4 = jax.random.split(key, 4)
    user = jax.random.randint(k1, (BATCH,), 0, N_USERS, dtype=jnp.int64 if jax.config.jax_enable_x64 else jnp.int32)
    movie = jax.random.randint(k2, (BATCH,), 0, N_MOVIES, dtype=jnp.int64 if jax.config.jax_enable_x64 else jnp.int32)
    user_factors = jax.random.uniform(k3, (N_USERS, N_FACTORS), dtype=jnp.float32, minval=0.0, maxval=0.05)
    movie_factors = jax.random.uniform(k4, (N_MOVIES, N_FACTORS), dtype=jnp.float32, minval=0.0, maxval=0.05)
    return {"user": user, "movie": movie, "user_factors": user_factors, "movie_factors": movie_factors}

def reference(user, movie, user_factors, movie_factors):
    # gather user and movie embedding rows, elementwise multiply, sum over factor dim
    u = jnp.take(user_factors, user, axis=0)   # [B, n_factors]
    m = jnp.take(movie_factors, movie, axis=0) # [B, n_factors]
    return (u * m).sum(axis=1)                 # [B]

if __name__ == "__main__":
    import jax
    _d = setup_inputs()
    print(jax.jit(kernel)(*tuple(_d.values())))

</pallas_src>

<mosaic_0001>
#map = affine_map<(d0, d1) -> (0)>
#map1 = affine_map<(d0, d1) -> (0, 0)>
module attributes {stable_mosaic.version = 14 : i64} {
  func.func @_sc_body(%arg0: i32, %arg1: i32, %arg2: memref<16384xi32, #tpu.memory_space<hbm>>, %arg3: memref<16384xi32, #tpu.memory_space<hbm>>, %arg4: memref<1000000x32xf32, #tpu.memory_space<hbm>>, %arg5: memref<100000x32xf32, #tpu.memory_space<hbm>>, %arg6: memref<16384xf32, #tpu.memory_space<hbm>>, %arg7: memref<512xi32, #tpu.memory_space<vmem>>, %arg8: memref<512xi32, #tpu.memory_space<vmem>>, %arg9: memref<512x32xf32, #tpu.memory_space<vmem>>, %arg10: memref<512x32xf32, #tpu.memory_space<vmem>>, %arg11: memref<512xf32, #tpu.memory_space<vmem>>, %arg12: memref<!tpu.dma_semaphore, #tpu.memory_space<semaphore_mem>>, %arg13: memref<!tpu.dma_semaphore, #tpu.memory_space<semaphore_mem>>) attributes {dimension_semantics = [#tpu.dimension_semantics<core_parallel>, #tpu.dimension_semantics<subcore_parallel>], iteration_bounds = array<i64: 2, 16>, scalar_prefetch = 0 : i64, scratch_operands = 7 : i64, tpu.core_type = #tpu.core_type<sc_vector_subcore>, window_params = [{transform_indices = #map}, {transform_indices = #map}, {transform_indices = #map1}, {transform_indices = #map1}, {transform_indices = #map}]} {
    %mul3A = arith.constant 2 : i32
    %mul3A_0 = arith.muli %arg1, %mul3A : i32
    %add3A = arith.addi %mul3A_0, %arg0 : i32
    %mul3A_1 = arith.constant 512 : i32
    %mul3A_2 = arith.muli %add3A, %mul3A_1 : i32
    "tpu.region"() ({
      %run_scoped3A = tpu.sem_alloc : memref<!tpu.dma_semaphore, #tpu.memory_space<semaphore_mem>>
      %dma_start3A_17 = tpu.memref_slice %arg2[%mul3A_2] : memref<16384xi32, #tpu.memory_space<hbm>> -> memref<512xi32, #tpu.memory_space<hbm>>
      %dma_start3A_18 = tpu.memref_slice %arg2[%mul3A_2] : memref<16384xi32, #tpu.memory_space<hbm>> -> memref<512xi32, #tpu.memory_space<hbm>>
      tpu.enqueue_dma source(%dma_start3A_18 : memref<512xi32, #tpu.memory_space<hbm>>) target(%arg7 : memref<512xi32, #tpu.memory_space<vmem>>) target_semaphore(%run_scoped3A : memref<!tpu.dma_semaphore, #tpu.memory_space<semaphore_mem>>)
      %dma_wait3A_19 = tpu.memref_slice %arg2[%mul3A_2] : memref<16384xi32, #tpu.memory_space<hbm>> -> memref<512xi32, #tpu.memory_space<hbm>>
      %dma_wait3A_20 = tpu.memref_slice %arg2[%mul3A_2] : memref<16384xi32, #tpu.memory_space<hbm>> -> memref<512xi32, #tpu.memory_space<hbm>>
      tpu.wait_dma2 semaphore(%run_scoped3A : memref<!tpu.dma_semaphore, #tpu.memory_space<semaphore_mem>>) src(%dma_wait3A_20 : memref<512xi32, #tpu.memory_space<hbm>>) dst(%arg7 : memref<512xi32, #tpu.memory_space<vmem>>)
      tpu.yield
    }) : () -> ()
    "tpu.region"() ({
      %run_scoped3A = tpu.sem_alloc : memref<!tpu.dma_semaphore, #tpu.memory_space<semaphore_mem>>
      %dma_start3A_17 = tpu.memref_slice %arg3[%mul3A_2] : memref<16384xi32, #tpu.memory_space<hbm>> -> memref<512xi32, #tpu.memory_space<hbm>>
      %dma_start3A_18 = tpu.memref_slice %arg3[%mul3A_2] : memref<16384xi32, #tpu.memory_space<hbm>> -> memref<512xi32, #tpu.memory_space<hbm>>
      tpu.enqueue_dma source(%dma_start3A_18 : memref<512xi32, #tpu.memory_space<hbm>>) target(%arg8 : memref<512xi32, #tpu.memory_space<vmem>>) target_semaphore(%run_scoped3A : memref<!tpu.dma_semaphore, #tpu.memory_space<semaphore_mem>>)
      %dma_wait3A_19 = tpu.memref_slice %arg3[%mul3A_2] : memref<16384xi32, #tpu.memory_space<hbm>> -> memref<512xi32, #tpu.memory_space<hbm>>
      %dma_wait3A_20 = tpu.memref_slice %arg3[%mul3A_2] : memref<16384xi32, #tpu.memory_space<hbm>> -> memref<512xi32, #tpu.memory_space<hbm>>
      tpu.wait_dma2 semaphore(%run_scoped3A : memref<!tpu.dma_semaphore, #tpu.memory_space<semaphore_mem>>) src(%dma_wait3A_20 : memref<512xi32, #tpu.memory_space<hbm>>) dst(%arg8 : memref<512xi32, #tpu.memory_space<vmem>>)
      tpu.yield
    }) : () -> ()
    %dma_start3A = arith.constant 0 : i32
    %dma_start3A_3 = arith.constant 0 : i32
    %dma_start3A_4 = tpu.memref_slice %arg4[%dma_start3A, %dma_start3A_3] : memref<1000000x32xf32, #tpu.memory_space<hbm>> -> memref<1000000x32xf32, #tpu.memory_space<hbm>>
    tpu.enqueue_indirect_dma source(%dma_start3A_4 : memref<1000000x32xf32, #tpu.memory_space<hbm>>) target(%arg9 : memref<512x32xf32, #tpu.memory_space<vmem>>) offsets(%arg7 : memref<512xi32, #tpu.memory_space<vmem>>) semaphore(%arg12 : memref<!tpu.dma_semaphore, #tpu.memory_space<semaphore_mem>>)
    %dma_start3A_5 = arith.constant 0 : i32
    %dma_start3A_6 = arith.constant 0 : i32
    %dma_start3A_7 = tpu.memref_slice %arg5[%dma_start3A_5, %dma_start3A_6] : memref<100000x32xf32, #tpu.memory_space<hbm>> -> memref<100000x32xf32, #tpu.memory_space<hbm>>
    tpu.enqueue_indirect_dma source(%dma_start3A_7 : memref<100000x32xf32, #tpu.memory_space<hbm>>) target(%arg10 : memref<512x32xf32, #tpu.memory_space<vmem>>) offsets(%arg8 : memref<512xi32, #tpu.memory_space<vmem>>) semaphore(%arg13 : memref<!tpu.dma_semaphore, #tpu.memory_space<semaphore_mem>>)
    %dma_wait3A = arith.constant 0 : i32
    %dma_wait3A_8 = arith.constant 0 : i32
    %dma_wait3A_9 = tpu.memref_slice %arg4[%dma_wait3A, %dma_wait3A_8] : memref<1000000x32xf32, #tpu.memory_space<hbm>> -> memref<1000000x32xf32, #tpu.memory_space<hbm>>
    tpu.wait_indirect_dma semaphore(%arg12 : memref<!tpu.dma_semaphore, #tpu.memory_space<semaphore_mem>>) src(%dma_wait3A_9 : memref<1000000x32xf32, #tpu.memory_space<hbm>>) dst(%arg9 : memref<512x32xf32, #tpu.memory_space<vmem>>)
    %dma_wait3A_10 = arith.constant 0 : i32
    %dma_wait3A_11 = arith.constant 0 : i32
    %dma_wait3A_12 = tpu.memref_slice %arg5[%dma_wait3A_10, %dma_wait3A_11] : memref<100000x32xf32, #tpu.memory_space<hbm>> -> memref<100000x32xf32, #tpu.memory_space<hbm>>
    tpu.wait_indirect_dma semaphore(%arg13 : memref<!tpu.dma_semaphore, #tpu.memory_space<semaphore_mem>>) src(%dma_wait3A_12 : memref<100000x32xf32, #tpu.memory_space<hbm>>) dst(%arg10 : memref<512x32xf32, #tpu.memory_space<vmem>>)
    %iota3A = tpu.iota {dimensions = array<i32: 0>} : vector<16xi32>
    %scan3A = arith.constant 0 : i32
    %scan3A_13 = arith.constant 32 : i32
    %scan3A_14 = arith.addi %scan3A, %scan3A_13 : i32
    %scan3A_15 = arith.constant 1 : i32
    scf.for %scan3A_17 = %scan3A to %scan3A_14 step %scan3A_15  : i32 {
      %mul3A_18 = arith.constant 16 : i32
      %mul3A_19 = arith.muli %scan3A_17, %mul3A_18 : i32
      %add3A_20 = arith.constant 0 : i32
      %add3A_21 = arith.addi %add3A_20, %mul3A_19 : i32
      %broadcast_in_dim3A = arith.constant 0.000000e+00 : f32
      %broadcast_in_dim3A_22 = vector.broadcast %broadcast_in_dim3A : f32 to vector<16xf32>
      %add3A_23 = arith.constant 0 : i32
      %add3A_24 = arith.addi %add3A_21, %add3A_23 : i32
      %get3A = arith.index_cast %add3A_24 : i32 to index
      %get3A_25 = arith.constant 0 : index
      %get3A_26 = tpu.vector_load %arg9[%get3A, %get3A_25] {strides = array<i32>} : memref<512x32xf32, #tpu.memory_space<vmem>>, vector<16xf32>,
      %add3A_27 = arith.constant 0 : i32
      %add3A_28 = arith.addi %add3A_21, %add3A_27 : i32
      %get3A_29 = arith.index_cast %add3A_28 : i32 to index
      %get3A_30 = arith.constant 16 : index
      %get3A_31 = tpu.vector_load %arg9[%get3A_29, %get3A_30] {strides = array<i32>} : memref<512x32xf32, #tpu.memory_space<vmem>>, vector<16xf32>,
      %add3A_32 = arith.constant 0 : i32
      %add3A_33 = arith.addi %add3A_21, %add3A_32 : i32
      %get3A_34 = arith.index_cast %add3A_33 : i32 to index
      %get3A_35 = arith.constant 0 : index
      %get3A_36 = tpu.vector_load %arg10[%get3A_34, %get3A_35] {strides = array<i32>} : memref<512x32xf32, #tpu.memory_space<vmem>>, vector<16xf32>,
      %add3A_37 = arith.constant 0 : i32
      %add3A_38 = arith.addi %add3A_21, %add3A_37 : i32
      %get3A_39 = arith.index_cast %add3A_38 : i32 to index
      %get3A_40 = arith.constant 16 : index
      %get3A_41 = tpu.vector_load %arg10[%get3A_39, %get3A_40] {strides = array<i32>} : memref<512x32xf32, #tpu.memory_space<vmem>>, vector<16xf32>,
      %mul3A_42 = arith.mulf %get3A_26, %get3A_36 : vector<16xf32>
      %mul3A_43 = arith.mulf %get3A_31, %get3A_41 : vector<16xf32>
      %add3A_44 = arith.addf %mul3A_42, %mul3A_43 : vector<16xf32>
      %reduce_sum3A = arith.constant true
      %reduce_sum3A_45 = vector.broadcast %reduce_sum3A : i1 to vector<16xi1>
      %reduce_sum3A_46 = tpu.scan <sum>, %add3A_44 masked %reduce_sum3A_45 : vector<16xf32>, vector<16xi1> -> vector<16xf32>
      %reduce_sum3A_47 = vector.extract %reduce_sum3A_46[15] : f32 from vector<16xf32>
      %eq3A = arith.constant 0 : i32
      %eq3A_48 = vector.broadcast %eq3A : i32 to vector<16xi32>
      %eq3A_49 = arith.cmpi eq, %iota3A, %eq3A_48 : vector<16xi32>
      %broadcast_in_dim3A_50 = vector.broadcast %reduce_sum3A_47 : f32 to vector<16xf32>
      %select_n3A = arith.select %eq3A_49, %broadcast_in_dim3A_50, %broadcast_in_dim3A_22 : vector<16xi1>, vector<16xf32>
      %add3A_51 = arith.constant 1 : i32
      %add3A_52 = arith.addi %add3A_21, %add3A_51 : i32
      %get3A_53 = arith.index_cast %add3A_52 : i32 to index
      %get3A_54 = arith.constant 0 : index
      %get3A_55 = tpu.vector_load %arg9[%get3A_53, %get3A_54] {strides = array<i32>} : memref<512x32xf32, #tpu.memory_space<vmem>>, vector<16xf32>,
      %add3A_56 = arith.constant 1 : i32
      %add3A_57 = arith.addi %add3A_21, %add3A_56 : i32
      %get3A_58 = arith.index_cast %add3A_57 : i32 to index
      %get3A_59 = arith.constant 16 : index
      %get3A_60 = tpu.vector_load %arg9[%get3A_58, %get3A_59] {strides = array<i32>} : memref<512x32xf32, #tpu.memory_space<vmem>>, vector<16xf32>,
      %add3A_61 = arith.constant 1 : i32
      %add3A_62 = arith.addi %add3A_21, %add3A_61 : i32
      %get3A_63 = arith.index_cast %add3A_62 : i32 to index
      %get3A_64 = arith.constant 0 : index
      %get3A_65 = tpu.vector_load %arg10[%get3A_63, %get3A_64] {strides = array<i32>} : memref<512x32xf32, #tpu.memory_space<vmem>>, vector<16xf32>,
      %add3A_66 = arith.constant 1 : i32
      %add3A_67 = arith.addi %add3A_21, %add3A_66 : i32
      %get3A_68 = arith.index_cast %add3A_67 : i32 to index
      %get3A_69 = arith.constant 16 : index
      %get3A_70 = tpu.vector_load %arg10[%get3A_68, %get3A_69] {strides = array<i32>} : memref<512x32xf32, #tpu.memory_space<vmem>>, vector<16xf32>,
      %mul3A_71 = arith.mulf %get3A_55, %get3A_65 : vector<16xf32>
      %mul3A_72 = arith.mulf %get3A_60, %get3A_70 : vector<16xf32>
      %add3A_73 = arith.addf %mul3A_71, %mul3A_72 : vector<16xf32>
      %reduce_sum3A_74 = arith.constant true
      %reduce_sum3A_75 = vector.broadcast %reduce_sum3A_74 : i1 to vector<16xi1>
      %reduce_sum3A_76 = tpu.scan <sum>, %add3A_73 masked %reduce_sum3A_75 : vector<16xf32>, vector<16xi1> -> vector<16xf32>
      %reduce_sum3A_77 = vector.extract %reduce_sum3A_76[15] : f32 from vector<16xf32>
      %eq3A_78 = arith.constant 1 : i32
      %eq3A_79 = vector.broadcast %eq3A_78 : i32 to vector<16xi32>
      %eq3A_80 = arith.cmpi eq, %iota3A, %eq3A_79 : vector<16xi32>
      %broadcast_in_dim3A_81 = vector.broadcast %reduce_sum3A_77 : f32 to vector<16xf32>
      %select_n3A_82 = arith.select %eq3A_80, %broadcast_in_dim3A_81, %select_n3A : vector<16xi1>, vector<16xf32>
      %add3A_83 = arith.constant 2 : i32
      %add3A_84 = arith.addi %add3A_21, %add3A_83 : i32
      %get3A_85 = arith.index_cast %add3A_84 : i32 to index
      %get3A_86 = arith.constant 0 : index
      %get3A_87 = tpu.vector_load %arg9[%get3A_85, %get3A_86] {strides = array<i32>} : memref<512x32xf32, #tpu.memory_space<vmem>>, vector<16xf32>,
      %add3A_88 = arith.constant 2 : i32
      %add3A_89 = arith.addi %add3A_21, %add3A_88 : i32
      %get3A_90 = arith.index_cast %add3A_89 : i32 to index
      %get3A_91 = arith.constant 16 : index
      %get3A_92 = tpu.vector_load %arg9[%get3A_90, %get3A_91] {strides = array<i32>} : memref<512x32xf32, #tpu.memory_space<vmem>>, vector<16xf32>,
      %add3A_93 = arith.constant 2 : i32
      %add3A_94 = arith.addi %add3A_21, %add3A_93 : i32
      %get3A_95 = arith.index_cast %add3A_94 : i32 to index
      %get3A_96 = arith.constant 0 : index
      %get3A_97 = tpu.vector_load %arg10[%get3A_95, %get3A_96] {strides = array<i32>} : memref<512x32xf32, #tpu.memory_space<vmem>>, vector<16xf32>,
      %add3A_98 = arith.constant 2 : i32
      %add3A_99 = arith.addi %add3A_21, %add3A_98 : i32
      %get3A_100 = arith.index_cast %add3A_99 : i32 to index
      %get3A_101 = arith.constant 16 : index
      %get3A_102 = tpu.vector_load %arg10[%get3A_100, %get3A_101] {strides = array<i32>} : memref<512x32xf32, #tpu.memory_space<vmem>>, vector<16xf32>,
      %mul3A_103 = arith.mulf %get3A_87, %get3A_97 : vector<16xf32>
      %mul3A_104 = arith.mulf %get3A_92, %get3A_102 : vector<16xf32>
      %add3A_105 = arith.addf %mul3A_103, %mul3A_104 : vector<16xf32>
      %reduce_sum3A_106 = arith.constant true
      %reduce_sum3A_107 = vector.broadcast %reduce_sum3A_106 : i1 to vector<16xi1>
      %reduce_sum3A_108 = tpu.scan <sum>, %add3A_105 masked %reduce_sum3A_107 : vector<16xf32>, vector<16xi1> -> vector<16xf32>
      %reduce_sum3A_109 = vector.extract %reduce_sum3A_108[15] : f32 from vector<16xf32>
      %eq3A_110 = arith.constant 2 : i32
      %eq3A_111 = vector.broadcast %eq3A_110 : i32 to vector<16xi32>
      %eq3A_112 = arith.cmpi eq, %iota3A, %eq3A_111 : vector<16xi32>
      %broadcast_in_dim3A_113 = vector.broadcast %reduce_sum3A_109 : f32 to vector<16xf32>
      %select_n3A_114 = arith.select %eq3A_112, %broadcast_in_dim3A_113, %select_n3A_82 : vector<16xi1>, vector<16xf32>
      %add3A_115 = arith.constant 3 : i32
      %add3A_116 = arith.addi %add3A_21, %add3A_115 : i32
      %get3A_117 = arith.index_cast %add3A_116 : i32 to index
      %get3A_118 = arith.constant 0 : index
      %get3A_119 = tpu.vector_load %arg9[%get3A_117, %get3A_118] {strides = array<i32>} : memref<512x32xf32, #tpu.memory_space<vmem>>, vector<16xf32>,
      %add3A_120 = arith.constant 3 : i32
      %add3A_121 = arith.addi %add3A_21, %add3A_120 : i32
      %get3A_122 = arith.index_cast %add3A_121 : i32 to index
      %get3A_123 = arith.constant 16 : index
      %get3A_124 = tpu.vector_load %arg9[%get3A_122, %get3A_123] {strides = array<i32>} : memref<512x32xf32, #tpu.memory_space<vmem>>, vector<16xf32>,
      %add3A_125 = arith.constant 3 : i32
      %add3A_126 = arith.addi %add3A_21, %add3A_125 : i32
      %get3A_127 = arith.index_cast %add3A_126 : i32 to index
      %get3A_128 = arith.constant 0 : index
      %get3A_129 = tpu.vector_load %arg10[%get3A_127, %get3A_128] {strides = array<i32>} : memref<512x32xf32, #tpu.memory_space<vmem>>, vector<16xf32>,
      %add3A_130 = arith.constant 3 : i32
      %add3A_131 = arith.addi %add3A_21, %add3A_130 : i32
      %get3A_132 = arith.index_cast %add3A_131 : i32 to index
      %get3A_133 = arith.constant 16 : index
      %get3A_134 = tpu.vector_load %arg10[%get3A_132, %get3A_133] {strides = array<i32>} : memref<512x32xf32, #tpu.memory_space<vmem>>, vector<16xf32>,
      %mul3A_135 = arith.mulf %get3A_119, %get3A_129 : vector<16xf32>
      %mul3A_136 = arith.mulf %get3A_124, %get3A_134 : vector<16xf32>
      %add3A_137 = arith.addf %mul3A_135, %mul3A_136 : vector<16xf32>
      %reduce_sum3A_138 = arith.constant true
      %reduce_sum3A_139 = vector.broadcast %reduce_sum3A_138 : i1 to vector<16xi1>
      %reduce_sum3A_140 = tpu.scan <sum>, %add3A_137 masked %reduce_sum3A_139 : vector<16xf32>, vector<16xi1> -> vector<16xf32>
      %reduce_sum3A_141 = vector.extract %reduce_sum3A_140[15] : f32 from vector<16xf32>
      %eq3A_142 = arith.constant 3 : i32
      %eq3A_143 = vector.broadcast %eq3A_142 : i32 to vector<16xi32>
      %eq3A_144 = arith.cmpi eq, %iota3A, %eq3A_143 : vector<16xi32>
      %broadcast_in_dim3A_145 = vector.broadcast %reduce_sum3A_141 : f32 to vector<16xf32>
      %select_n3A_146 = arith.select %eq3A_144, %broadcast_in_dim3A_145, %select_n3A_114 : vector<16xi1>, vector<16xf32>
      %add3A_147 = arith.constant 4 : i32
      %add3A_148 = arith.addi %add3A_21, %add3A_147 : i32
      %get3A_149 = arith.index_cast %add3A_148 : i32 to index
      %get3A_150 = arith.constant 0 : index
      %get3A_151 = tpu.vector_load %arg9[%get3A_149, %get3A_150] {strides = array<i32>} : memref<512x32xf32, #tpu.memory_space<vmem>>, vector<16xf32>,
      %add3A_152 = arith.constant 4 : i32
      %add3A_153 = arith.addi %add3A_21, %add3A_152 : i32
      %get3A_154 = arith.index_cast %add3A_153 : i32 to index
      %get3A_155 = arith.constant 16 : index
      %get3A_156 = tpu.vector_load %arg9[%get3A_154, %get3A_155] {strides = array<i32>} : memref<512x32xf32, #tpu.memory_space<vmem>>, vector<16xf32>,
      %add3A_157 = arith.constant 4 : i32
      %add3A_158 = arith.addi %add3A_21, %add3A_157 : i32
      %get3A_159 = arith.index_cast %add3A_158 : i32 to index
      %get3A_160 = arith.constant 0 : index
      %get3A_161 = tpu.vector_load %arg10[%get3A_159, %get3A_160] {strides = array<i32>} : memref<512x32xf32, #tpu.memory_space<vmem>>, vector<16xf32>,
      %add3A_162 = arith.constant 4 : i32
      %add3A_163 = arith.addi %add3A_21, %add3A_162 : i32
      %get3A_164 = arith.index_cast %add3A_163 : i32 to index
      %get3A_165 = arith.constant 16 : index
      %get3A_166 = tpu.vector_load %arg10[%get3A_164, %get3A_165] {strides = array<i32>} : memref<512x32xf32, #tpu.memory_space<vmem>>, vector<16xf32>,
      %mul3A_167 = arith.mulf %get3A_151, %get3A_161 : vector<16xf32>
      %mul3A_168 = arith.mulf %get3A_156, %get3A_166 : vector<16xf32>
      %add3A_169 = arith.addf %mul3A_167, %mul3A_168 : vector<16xf32>
      %reduce_sum3A_170 = arith.constant true
      %reduce_sum3A_171 = vector.broadcast %reduce_sum3A_170 : i1 to vector<16xi1>
      %reduce_sum3A_172 = tpu.scan <sum>, %add3A_169 masked %reduce_sum3A_171 : vector<16xf32>, vector<16xi1> -> vector<16xf32>
      %reduce_sum3A_173 = vector.extract %reduce_sum3A_172[15] : f32 from vector<16xf32>
      %eq3A_174 = arith.constant 4 : i32
      %eq3A_175 = vector.broadcast %eq3A_174 : i32 to vector<16xi32>
      %eq3A_176 = arith.cmpi eq, %iota3A, %eq3A_175 : vector<16xi32>
      %broadcast_in_dim3A_177 = vector.broadcast %reduce_sum3A_173 : f32 to vector<16xf32>
      %select_n3A_178 = arith.select %eq3A_176, %broadcast_in_dim3A_177, %select_n3A_146 : vector<16xi1>, vector<16xf32>
      %add3A_179 = arith.constant 5 : i32
      %add3A_180 = arith.addi %add3A_21, %add3A_179 : i32
      %get3A_181 = arith.index_cast %add3A_180 : i32 to index
      %get3A_182 = arith.constant 0 : index
      %get3A_183 = tpu.vector_load %arg9[%get3A_181, %get3A_182] {strides = array<i32>} : memref<512x32xf32, #tpu.memory_space<vmem>>, vector<16xf32>,
      %add3A_184 = arith.constant 5 : i32
      %add3A_185 = arith.addi %add3A_21, %add3A_184 : i32
      %get3A_186 = arith.index_cast %add3A_185 : i32 to index
      %get3A_187 = arith.constant 16 : index
      %get3A_188 = tpu.vector_load %arg9[%get3A_186, %get3A_187] {strides = array<i32>} : memref<512x32xf32, #tpu.memory_space<vmem>>, vector<16xf32>,
      %add3A_189 = arith.constant 5 : i32
      %add3A_190 = arith.addi %add3A_21, %add3A_189 : i32
      %get3A_191 = arith.index_cast %add3A_190 : i32 to index
      %get3A_192 = arith.constant 0 : index
      %get3A_193 = tpu.vector_load %arg10[%get3A_191, %get3A_192] {strides = array<i32>} : memref<512x32xf32, #tpu.memory_space<vmem>>, vector<16xf32>,
      %add3A_194 = arith.constant 5 : i32
      %add3A_195 = arith.addi %add3A_21, %add3A_194 : i32
      %get3A_196 = arith.index_cast %add3A_195 : i32 to index
      %get3A_197 = arith.constant 16 : index
      %get3A_198 = tpu.vector_load %arg10[%get3A_196, %get3A_197] {strides = array<i32>} : memref<512x32xf32, #tpu.memory_space<vmem>>, vector<16xf32>,
      %mul3A_199 = arith.mulf %get3A_183, %get3A_193 : vector<16xf32>
      %mul3A_200 = arith.mulf %get3A_188, %get3A_198 : vector<16xf32>
      %add3A_201 = arith.addf %mul3A_199, %mul3A_200 : vector<16xf32>
      %reduce_sum3A_202 = arith.constant true
      %reduce_sum3A_203 = vector.broadcast %reduce_sum3A_202 : i1 to vector<16xi1>
      %reduce_sum3A_204 = tpu.scan <sum>, %add3A_201 masked %reduce_sum3A_203 : vector<16xf32>, vector<16xi1> -> vector<16xf32>
      %reduce_sum3A_205 = vector.extract %reduce_sum3A_204[15] : f32 from vector<16xf32>
      %eq3A_206 = arith.constant 5 : i32
      %eq3A_207 = vector.broadcast %eq3A_206 : i32 to vector<16xi32>
      %eq3A_208 = arith.cmpi eq, %iota3A, %eq3A_207 : vector<16xi32>
      %broadcast_in_dim3A_209 = vector.broadcast %reduce_sum3A_205 : f32 to vector<16xf32>
      %select_n3A_210 = arith.select %eq3A_208, %broadcast_in_dim3A_209, %select_n3A_178 : vector<16xi1>, vector<16xf32>
      %add3A_211 = arith.constant 6 : i32
      %add3A_212 = arith.addi %add3A_21, %add3A_211 : i32
      %get3A_213 = arith.index_cast %add3A_212 : i32 to index
      %get3A_214 = arith.constant 0 : index
      %get3A_215 = tpu.vector_load %arg9[%get3A_213, %get3A_214] {strides = array<i32>} : memref<512x32xf32, #tpu.memory_space<vmem>>, vector<16xf32>,
      %add3A_216 = arith.constant 6 : i32
      %add3A_217 = arith.addi %add3A_21, %add3A_216 : i32
      %get3A_218 = arith.index_cast %add3A_217 : i32 to index
      %get3A_219 = arith.constant 16 : index
      %get3A_220 = tpu.vector_load %arg9[%get3A_218, %get3A_219] {strides = array<i32>} : memref<512x32xf32, #tpu.memory_space<vmem>>, vector<16xf32>,
      %add3A_221 = arith.constant 6 : i32
      %add3A_222 = arith.addi %add3A_21, %add3A_221 : i32
      %get3A_223 = arith.index_cast %add3A_222 : i32 to index
      %get3A_224 = arith.constant 0 : index
      %get3A_225 = tpu.vector_load %arg10[%get3A_223, %get3A_224] {strides = array<i32>} : memref<512x32xf32, #tpu.memory_space<vmem>>, vector<16xf32>,
      %add3A_226 = arith.constant 6 : i32
      %add3A_227 = arith.addi %add3A_21, %add3A_226 : i32
      %get3A_228 = arith.index_cast %add3A_227 : i32 to index
      %get3A_229 = arith.constant 16 : index
      %get3A_230 = tpu.vector_load %arg10[%get3A_228, %get3A_229] {strides = array<i32>} : memref<512x32xf32, #tpu.memory_space<vmem>>, vector<16xf32>,
      %mul3A_231 = arith.mulf %get3A_215, %get3A_225 : vector<16xf32>
      %mul3A_232 = arith.mulf %get3A_220, %get3A_230 : vector<16xf32>
      %add3A_233 = arith.addf %mul3A_231, %mul3A_232 : vector<16xf32>
      %reduce_sum3A_234 = arith.constant true
      %reduce_sum3A_235 = vector.broadcast %reduce_sum3A_234 : i1 to vector<16xi1>
      %reduce_sum3A_236 = tpu.scan <sum>, %add3A_233 masked %reduce_sum3A_235 : vector<16xf32>, vector<16xi1> -> vector<16xf32>
      %reduce_sum3A_237 = vector.extract %reduce_sum3A_236[15] : f32 from vector<16xf32>
      %eq3A_238 = arith.constant 6 : i32
      %eq3A_239 = vector.broadcast %eq3A_238 : i32 to vector<16xi32>
      %eq3A_240 = arith.cmpi eq, %iota3A, %eq3A_239 : vector<16xi32>
      %broadcast_in_dim3A_241 = vector.broadcast %reduce_sum3A_237 : f32 to vector<16xf32>
      %select_n3A_242 = arith.select %eq3A_240, %broadcast_in_dim3A_241, %select_n3A_210 : vector<16xi1>, vector<16xf32>
      %add3A_243 = arith.constant 7 : i32
      %add3A_244 = arith.addi %add3A_21, %add3A_243 : i32
      %get3A_245 = arith.index_cast %add3A_244 : i32 to index
      %get3A_246 = arith.constant 0 : index
      %get3A_247 = tpu.vector_load %arg9[%get3A_245, %get3A_246] {strides = array<i32>} : memref<512x32xf32, #tpu.memory_space<vmem>>, vector<16xf32>,
      %add3A_248 = arith.constant 7 : i32
      %add3A_249 = arith.addi %add3A_21, %add3A_248 : i32
      %get3A_250 = arith.index_cast %add3A_249 : i32 to index
      %get3A_251 = arith.constant 16 : index
      %get3A_252 = tpu.vector_load %arg9[%get3A_250, %get3A_251] {strides = array<i32>} : memref<512x32xf32, #tpu.memory_space<vmem>>, vector<16xf32>,
      %add3A_253 = arith.constant 7 : i32
      %add3A_254 = arith.addi %add3A_21, %add3A_253 : i32
      %get3A_255 = arith.index_cast %add3A_254 : i32 to index
      %get3A_256 = arith.constant 0 : index
      %get3A_257 = tpu.vector_load %arg10[%get3A_255, %get3A_256] {strides = array<i32>} : memref<512x32xf32, #tpu.memory_space<vmem>>, vector<16xf32>,
      %add3A_258 = arith.constant 7 : i32
      %add3A_259 = arith.addi %add3A_21, %add3A_258 : i32
      %get3A_260 = arith.index_cast %add3A_259 : i32 to index
      %get3A_261 = arith.constant 16 : index
      %get3A_262 = tpu.vector_load %arg10[%get3A_260, %get3A_261] {strides = array<i32>} : memref<512x32xf32, #tpu.memory_space<vmem>>, vector<16xf32>,
      %mul3A_263 = arith.mulf %get3A_247, %get3A_257 : vector<16xf32>
      %mul3A_264 = arith.mulf %get3A_252, %get3A_262 : vector<16xf32>
      %add3A_265 = arith.addf %mul3A_263, %mul3A_264 : vector<16xf32>
      %reduce_sum3A_266 = arith.constant true
      %reduce_sum3A_267 = vector.broadcast %reduce_sum3A_266 : i1 to vector<16xi1>
      %reduce_sum3A_268 = tpu.scan <sum>, %add3A_265 masked %reduce_sum3A_267 : vector<16xf32>, vector<16xi1> -> vector<16xf32>
      %reduce_sum3A_269 = vector.extract %reduce_sum3A_268[15] : f32 from vector<16xf32>
      %eq3A_270 = arith.constant 7 : i32
      %eq3A_271 = vector.broadcast %eq3A_270 : i32 to vector<16xi32>
      %eq3A_272 = arith.cmpi eq, %iota3A, %eq3A_271 : vector<16xi32>
      %broadcast_in_dim3A_273 = vector.broadcast %reduce_sum3A_269 : f32 to vector<16xf32>
      %select_n3A_274 = arith.select %eq3A_272, %broadcast_in_dim3A_273, %select_n3A_242 : vector<16xi1>, vector<16xf32>
      %add3A_275 = arith.constant 8 : i32
      %add3A_276 = arith.addi %add3A_21, %add3A_275 : i32
      %get3A_277 = arith.index_cast %add3A_276 : i32 to index
      %get3A_278 = arith.constant 0 : index
      %get3A_279 = tpu.vector_load %arg9[%get3A_277, %get3A_278] {strides = array<i32>} : memref<512x32xf32, #tpu.memory_space<vmem>>, vector<16xf32>,
      %add3A_280 = arith.constant 8 : i32
      %add3A_281 = arith.addi %add3A_21, %add3A_280 : i32
      %get3A_282 = arith.index_cast %add3A_281 : i32 to index
      %get3A_283 = arith.constant 16 : index
      %get3A_284 = tpu.vector_load %arg9[%get3A_282, %get3A_283] {strides = array<i32>} : memref<512x32xf32, #tpu.memory_space<vmem>>, vector<16xf32>,
      %add3A_285 = arith.constant 8 : i32
      %add3A_286 = arith.addi %add3A_21, %add3A_285 : i32
      %get3A_287 = arith.index_cast %add3A_286 : i32 to index
      %get3A_288 = arith.constant 0 : index
      %get3A_289 = tpu.vector_load %arg10[%get3A_287, %get3A_288] {strides = array<i32>} : memref<512x32xf32, #tpu.memory_space<vmem>>, vector<16xf32>,
      %add3A_290 = arith.constant 8 : i32
      %add3A_291 = arith.addi %add3A_21, %add3A_290 : i32
      %get3A_292 = arith.index_cast %add3A_291 : i32 to index
      %get3A_293 = arith.constant 16 : index
      %get3A_294 = tpu.vector_load %arg10[%get3A_292, %get3A_293] {strides = array<i32>} : memref<512x32xf32, #tpu.memory_space<vmem>>, vector<16xf32>,
      %mul3A_295 = arith.mulf %get3A_279, %get3A_289 : vector<16xf32>
      %mul3A_296 = arith.mulf %get3A_284, %get3A_294 : vector<16xf32>
      %add3A_297 = arith.addf %mul3A_295, %mul3A_296 : vector<16xf32>
      %reduce_sum3A_298 = arith.constant true
      %reduce_sum3A_299 = vector.broadcast %reduce_sum3A_298 : i1 to vector<16xi1>
      %reduce_sum3A_300 = tpu.scan <sum>, %add3A_297 masked %reduce_sum3A_299 : vector<16xf32>, vector<16xi1> -> vector<16xf32>
      %reduce_sum3A_301 = vector.extract %reduce_sum3A_300[15] : f32 from vector<16xf32>
      %eq3A_302 = arith.constant 8 : i32
      %eq3A_303 = vector.broadcast %eq3A_302 : i32 to vector<16xi32>
      %eq3A_304 = arith.cmpi eq, %iota3A, %eq3A_303 : vector<16xi32>
      %broadcast_in_dim3A_305 = vector.broadcast %reduce_sum3A_301 : f32 to vector<16xf32>
      %select_n3A_306 = arith.select %eq3A_304, %broadcast_in_dim3A_305, %select_n3A_274 : vector<16xi1>, vector<16xf32>
      %add3A_307 = arith.constant 9 : i32
      %add3A_308 = arith.addi %add3A_21, %add3A_307 : i32
      %get3A_309 = arith.index_cast %add3A_308 : i32 to index
      %get3A_310 = arith.constant 0 : index
      %get3A_311 = tpu.vector_load %arg9[%get3A_309, %get3A_310] {strides = array<i32>} : memref<512x32xf32, #tpu.memory_space<vmem>>, vector<16xf32>,
      %add3A_312 = arith.constant 9 : i32
      %add3A_313 = arith.addi %add3A_21, %add3A_312 : i32
      %get3A_314 = arith.index_cast %add3A_313 : i32 to index
      %get3A_315 = arith.constant 16 : index
      %get3A_316 = tpu.vector_load %arg9[%get3A_314, %get3A_315] {strides = array<i32>} : memref<512x32xf32, #tpu.memory_space<vmem>>, vector<16xf32>,
      %add3A_317 = arith.constant 9 : i32
      %add3A_318 = arith.addi %add3A_21, %add3A_317 : i32
      %get3A_319 = arith.index_cast %add3A_318 : i32 to index
      %get3A_320 = arith.constant 0 : index
      %get3A_321 = tpu.vector_load %arg10[%get3A_319, %get3A_320] {strides = array<i32>} : memref<512x32xf32, #tpu.memory_space<vmem>>, vector<16xf32>,
      %add3A_322 = arith.constant 9 : i32
      %add3A_323 = arith.addi %add3A_21, %add3A_322 : i32
      %get3A_324 = arith.index_cast %add3A_323 : i32 to index
      %get3A_325 = arith.constant 16 : index
      %get3A_326 = tpu.vector_load %arg10[%get3A_324, %get3A_325] {strides = array<i32>} : memref<512x32xf32, #tpu.memory_space<vmem>>, vector<16xf32>,
      %mul3A_327 = arith.mulf %get3A_311, %get3A_321 : vector<16xf32>
      %mul3A_328 = arith.mulf %get3A_316, %get3A_326 : vector<16xf32>
      %add3A_329 = arith.addf %mul3A_327, %mul3A_328 : vector<16xf32>
      %reduce_sum3A_330 = arith.constant true
      %reduce_sum3A_331 = vector.broadcast %reduce_sum3A_330 : i1 to vector<16xi1>
      %reduce_sum3A_332 = tpu.scan <sum>, %add3A_329 masked %reduce_sum3A_331 : vector<16xf32>, vector<16xi1> -> vector<16xf32>
      %reduce_sum3A_333 = vector.extract %reduce_sum3A_332[15] : f32 from vector<16xf32>
      %eq3A_334 = arith.constant 9 : i32
      %eq3A_335 = vector.broadcast %eq3A_334 : i32 to vector<16xi32>
      %eq3A_336 = arith.cmpi eq, %iota3A, %eq3A_335 : vector<16xi32>
      %broadcast_in_dim3A_337 = vector.broadcast %reduce_sum3A_333 : f32 to vector<16xf32>
      %select_n3A_338 = arith.select %eq3A_336, %broadcast_in_dim3A_337, %select_n3A_306 : vector<16xi1>, vector<16xf32>
      %add3A_339 = arith.constant 10 : i32
      %add3A_340 = arith.addi %add3A_21, %add3A_339 : i32
      %get3A_341 = arith.index_cast %add3A_340 : i32 to index
      %get3A_342 = arith.constant 0 : index
      %get3A_343 = tpu.vector_load %arg9[%get3A_341, %get3A_342] {strides = array<i32>} : memref<512x32xf32, #tpu.memory_space<vmem>>, vector<16xf32>,
      %add3A_344 = arith.constant 10 : i32
      %add3A_345 = arith.addi %add3A_21, %add3A_344 : i32
      %get3A_346 = arith.index_cast %add3A_345 : i32 to index
      %get3A_347 = arith.constant 16 : index
      %get3A_348 = tpu.vector_load %arg9[%get3A_346, %get3A_347] {strides = array<i32>} : memref<512x32xf32, #tpu.memory_space<vmem>>, vector<16xf32>,
      %add3A_349 = arith.constant 10 : i32
      %add3A_350 = arith.addi %add3A_21, %add3A_349 : i32
      %get3A_351 = arith.index_cast %add3A_350 : i32 to index
      %get3A_352 = arith.constant 0 : index
      %get3A_353 = tpu.vector_load %arg10[%get3A_351, %get3A_352] {strides = array<i32>} : memref<512x32xf32, #tpu.memory_space<vmem>>, vector<16xf32>,
      %add3A_354 = arith.constant 10 : i32
      %add3A_355 = arith.addi %add3A_21, %add3A_354 : i32
      %get3A_356 = arith.index_cast %add3A_355 : i32 to index
      %get3A_357 = arith.constant 16 : index
      %get3A_358 = tpu.vector_load %arg10[%get3A_356, %get3A_357] {strides = array<i32>} : memref<512x32xf32, #tpu.memory_space<vmem>>, vector<16xf32>,
      %mul3A_359 = arith.mulf %get3A_343, %get3A_353 : vector<16xf32>
      %mul3A_360 = arith.mulf %get3A_348, %get3A_358 : vector<16xf32>
      %add3A_361 = arith.addf %mul3A_359, %mul3A_360 : vector<16xf32>
      %reduce_sum3A_362 = arith.constant true
      %reduce_sum3A_363 = vector.broadcast %reduce_sum3A_362 : i1 to vector<16xi1>
      %reduce_sum3A_364 = tpu.scan <sum>, %add3A_361 masked %reduce_sum3A_363 : vector<16xf32>, vector<16xi1> -> vector<16xf32>
      %reduce_sum3A_365 = vector.extract %reduce_sum3A_364[15] : f32 from vector<16xf32>
      %eq3A_366 = arith.constant 10 : i32
      %eq3A_367 = vector.broadcast %eq3A_366 : i32 to vector<16xi32>
      %eq3A_368 = arith.cmpi eq, %iota3A, %eq3A_367 : vector<16xi32>
      %broadcast_in_dim3A_369 = vector.broadcast %reduce_sum3A_365 : f32 to vector<16xf32>
      %select_n3A_370 = arith.select %eq3A_368, %broadcast_in_dim3A_369, %select_n3A_338 : vector<16xi1>, vector<16xf32>
      %add3A_371 = arith.constant 11 : i32
      %add3A_372 = arith.addi %add3A_21, %add3A_371 : i32
      %get3A_373 = arith.index_cast %add3A_372 : i32 to index
      %get3A_374 = arith.constant 0 : index
      %get3A_375 = tpu.vector_load %arg9[%get3A_373, %get3A_374] {strides = array<i32>} : memref<512x32xf32, #tpu.memory_space<vmem>>, vector<16xf32>,
      %add3A_376 = arith.constant 11 : i32
      %add3A_377 = arith.addi %add3A_21, %add3A_376 : i32
      %get3A_378 = arith.index_cast %add3A_377 : i32 to index
      %get3A_379 = arith.constant 16 : index
      %get3A_380 = tpu.vector_load %arg9[%get3A_378, %get3A_379] {strides = array<i32>} : memref<512x32xf32, #tpu.memory_space<vmem>>, vector<16xf32>,
      %add3A_381 = arith.constant 11 : i32
      %add3A_382 = arith.addi %add3A_21, %add3A_381 : i32
      %get3A_383 = arith.index_cast %add3A_382 : i32 to index
      %get3A_384 = arith.constant 0 : index
      %get3A_385 = tpu.vector_load %arg10[%get3A_383, %get3A_384] {strides = array<i32>} : memref<512x32xf32, #tpu.memory_space<vmem>>, vector<16xf32>,
      %add3A_386 = arith.constant 11 : i32
      %add3A_387 = arith.addi %add3A_21, %add3A_386 : i32
      %get3A_388 = arith.index_cast %add3A_387 : i32 to index
      %get3A_389 = arith.constant 16 : index
      %get3A_390 = tpu.vector_load %arg10[%get3A_388, %get3A_389] {strides = array<i32>} : memref<512x32xf32, #tpu.memory_space<vmem>>, vector<16xf32>,
      %mul3A_391 = arith.mulf %get3A_375, %get3A_385 : vector<16xf32>
      %mul3A_392 = arith.mulf %get3A_380, %get3A_390 : vector<16xf32>
      %add3A_393 = arith.addf %mul3A_391, %mul3A_392 : vector<16xf32>
      %reduce_sum3A_394 = arith.constant true
      %reduce_sum3A_395 = vector.broadcast %reduce_sum3A_394 : i1 to vector<16xi1>
      %reduce_sum3A_396 = tpu.scan <sum>, %add3A_393 masked %reduce_sum3A_395 : vector<16xf32>, vector<16xi1> -> vector<16xf32>
      %reduce_sum3A_397 = vector.extract %reduce_sum3A_396[15] : f32 from vector<16xf32>
      %eq3A_398 = arith.constant 11 : i32
      %eq3A_399 = vector.broadcast %eq3A_398 : i32 to vector<16xi32>
      %eq3A_400 = arith.cmpi eq, %iota3A, %eq3A_399 : vector<16xi32>
      %broadcast_in_dim3A_401 = vector.broadcast %reduce_sum3A_397 : f32 to vector<16xf32>
      %select_n3A_402 = arith.select %eq3A_400, %broadcast_in_dim3A_401, %select_n3A_370 : vector<16xi1>, vector<16xf32>
      %add3A_403 = arith.constant 12 : i32
      %add3A_404 = arith.addi %add3A_21, %add3A_403 : i32
      %get3A_405 = arith.index_cast %add3A_404 : i32 to index
      %get3A_406 = arith.constant 0 : index
      %get3A_407 = tpu.vector_load %arg9[%get3A_405, %get3A_406] {strides = array<i32>} : memref<512x32xf32, #tpu.memory_space<vmem>>, vector<16xf32>,
      %add3A_408 = arith.constant 12 : i32
      %add3A_409 = arith.addi %add3A_21, %add3A_408 : i32
      %get3A_410 = arith.index_cast %add3A_409 : i32 to index
      %get3A_411 = arith.constant 16 : index
      %get3A_412 = tpu.vector_load %arg9[%get3A_410, %get3A_411] {strides = array<i32>} : memref<512x32xf32, #tpu.memory_space<vmem>>, vector<16xf32>,
      %add3A_413 = arith.constant 12 : i32
      %add3A_414 = arith.addi %add3A_21, %add3A_413 : i32
      %get3A_415 = arith.index_cast %add3A_414 : i32 to index
      %get3A_416 = arith.constant 0 : index
      %get3A_417 = tpu.vector_load %arg10[%get3A_415, %get3A_416] {strides = array<i32>} : memref<512x32xf32, #tpu.memory_space<vmem>>, vector<16xf32>,
      %add3A_418 = arith.constant 12 : i32
      %add3A_419 = arith.addi %add3A_21, %add3A_418 : i32
      %get3A_420 = arith.index_cast %add3A_419 : i32 to index
      %get3A_421 = arith.constant 16 : index
      %get3A_422 = tpu.vector_load %arg10[%get3A_420, %get3A_421] {strides = array<i32>} : memref<512x32xf32, #tpu.memory_space<vmem>>, vector<16xf32>,
      %mul3A_423 = arith.mulf %get3A_407, %get3A_417 : vector<16xf32>
      %mul3A_424 = arith.mulf %get3A_412, %get3A_422 : vector<16xf32>
      %add3A_425 = arith.addf %mul3A_423, %mul3A_424 : vector<16xf32>
      %reduce_sum3A_426 = arith.constant true
      %reduce_sum3A_427 = vector.broadcast %reduce_sum3A_426 : i1 to vector<16xi1>
      %reduce_sum3A_428 = tpu.scan <sum>, %add3A_425 masked %reduce_sum3A_427 : vector<16xf32>, vector<16xi1> -> vector<16xf32>
      %reduce_sum3A_429 = vector.extract %reduce_sum3A_428[15] : f32 from vector<16xf32>
      %eq3A_430 = arith.constant 12 : i32
      %eq3A_431 = vector.broadcast %eq3A_430 : i32 to vector<16xi32>
      %eq3A_432 = arith.cmpi eq, %iota3A, %eq3A_431 : vector<16xi32>
      %broadcast_in_dim3A_433 = vector.broadcast %reduce_sum3A_429 : f32 to vector<16xf32>
      %select_n3A_434 = arith.select %eq3A_432, %broadcast_in_dim3A_433, %select_n3A_402 : vector<16xi1>, vector<16xf32>
      %add3A_435 = arith.constant 13 : i32
      %add3A_436 = arith.addi %add3A_21, %add3A_435 : i32
      %get3A_437 = arith.index_cast %add3A_436 : i32 to index
      %get3A_438 = arith.constant 0 : index
      %get3A_439 = tpu.vector_load %arg9[%get3A_437, %get3A_438] {strides = array<i32>} : memref<512x32xf32, #tpu.memory_space<vmem>>, vector<16xf32>,
      %add3A_440 = arith.constant 13 : i32
      %add3A_441 = arith.addi %add3A_21, %add3A_440 : i32
      %get3A_442 = arith.index_cast %add3A_441 : i32 to index
      %get3A_443 = arith.constant 16 : index
      %get3A_444 = tpu.vector_load %arg9[%get3A_442, %get3A_443] {strides = array<i32>} : memref<512x32xf32, #tpu.memory_space<vmem>>, vector<16xf32>,
      %add3A_445 = arith.constant 13 : i32
      %add3A_446 = arith.addi %add3A_21, %add3A_445 : i32
      %get3A_447 = arith.index_cast %add3A_446 : i32 to index
      %get3A_448 = arith.constant 0 : index
      %get3A_449 = tpu.vector_load %arg10[%get3A_447, %get3A_448] {strides = array<i32>} : memref<512x32xf32, #tpu.memory_space<vmem>>, vector<16xf32>,
      %add3A_450 = arith.constant 13 : i32
      %add3A_451 = arith.addi %add3A_21, %add3A_450 : i32
      %get3A_452 = arith.index_cast %add3A_451 : i32 to index
      %get3A_453 = arith.constant 16 : index
      %get3A_454 = tpu.vector_load %arg10[%get3A_452, %get3A_453] {strides = array<i32>} : memref<512x32xf32, #tpu.memory_space<vmem>>, vector<16xf32>,
      %mul3A_455 = arith.mulf %get3A_439, %get3A_449 : vector<16xf32>
      %mul3A_456 = arith.mulf %get3A_444, %get3A_454 : vector<16xf32>
      %add3A_457 = arith.addf %mul3A_455, %mul3A_456 : vector<16xf32>
      %reduce_sum3A_458 = arith.constant true
      %reduce_sum3A_459 = vector.broadcast %reduce_sum3A_458 : i1 to vector<16xi1>
      %reduce_sum3A_460 = tpu.scan <sum>, %add3A_457 masked %reduce_sum3A_459 : vector<16xf32>, vector<16xi1> -> vector<16xf32>
      %reduce_sum3A_461 = vector.extract %reduce_sum3A_460[15] : f32 from vector<16xf32>
      %eq3A_462 = arith.constant 13 : i32
      %eq3A_463 = vector.broadcast %eq3A_462 : i32 to vector<16xi32>
      %eq3A_464 = arith.cmpi eq, %iota3A, %eq3A_463 : vector<16xi32>
      %broadcast_in_dim3A_465 = vector.broadcast %reduce_sum3A_461 : f32 to vector<16xf32>
      %select_n3A_466 = arith.select %eq3A_464, %broadcast_in_dim3A_465, %select_n3A_434 : vector<16xi1>, vector<16xf32>
      %add3A_467 = arith.constant 14 : i32
      %add3A_468 = arith.addi %add3A_21, %add3A_467 : i32
      %get3A_469 = arith.index_cast %add3A_468 : i32 to index
      %get3A_470 = arith.constant 0 : index
      %get3A_471 = tpu.vector_load %arg9[%get3A_469, %get3A_470] {strides = array<i32>} : memref<512x32xf32, #tpu.memory_space<vmem>>, vector<16xf32>,
      %add3A_472 = arith.constant 14 : i32
      %add3A_473 = arith.addi %add3A_21, %add3A_472 : i32
      %get3A_474 = arith.index_cast %add3A_473 : i32 to index
      %get3A_475 = arith.constant 16 : index
      %get3A_476 = tpu.vector_load %arg9[%get3A_474, %get3A_475] {strides = array<i32>} : memref<512x32xf32, #tpu.memory_space<vmem>>, vector<16xf32>,
      %add3A_477 = arith.constant 14 : i32
      %add3A_478 = arith.addi %add3A_21, %add3A_477 : i32
      %get3A_479 = arith.index_cast %add3A_478 : i32 to index
      %get3A_480 = arith.constant 0 : index
      %get3A_481 = tpu.vector_load %arg10[%get3A_479, %get3A_480] {strides = array<i32>} : memref<512x32xf32, #tpu.memory_space<vmem>>, vector<16xf32>,
      %add3A_482 = arith.constant 14 : i32
      %add3A_483 = arith.addi %add3A_21, %add3A_482 : i32
      %get3A_484 = arith.index_cast %add3A_483 : i32 to index
      %get3A_485 = arith.constant 16 : index
      %get3A_486 = tpu.vector_load %arg10[%get3A_484, %get3A_485] {strides = array<i32>} : memref<512x32xf32, #tpu.memory_space<vmem>>, vector<16xf32>,
      %mul3A_487 = arith.mulf %get3A_471, %get3A_481 : vector<16xf32>
      %mul3A_488 = arith.mulf %get3A_476, %get3A_486 : vector<16xf32>
      %add3A_489 = arith.addf %mul3A_487, %mul3A_488 : vector<16xf32>
      %reduce_sum3A_490 = arith.constant true
      %reduce_sum3A_491 = vector.broadcast %reduce_sum3A_490 : i1 to vector<16xi1>
      %reduce_sum3A_492 = tpu.scan <sum>, %add3A_489 masked %reduce_sum3A_491 : vector<16xf32>, vector<16xi1> -> vector<16xf32>
      %reduce_sum3A_493 = vector.extract %reduce_sum3A_492[15] : f32 from vector<16xf32>
      %eq3A_494 = arith.constant 14 : i32
      %eq3A_495 = vector.broadcast %eq3A_494 : i32 to vector<16xi32>
      %eq3A_496 = arith.cmpi eq, %iota3A, %eq3A_495 : vector<16xi32>
      %broadcast_in_dim3A_497 = vector.broadcast %reduce_sum3A_493 : f32 to vector<16xf32>
      %select_n3A_498 = arith.select %eq3A_496, %broadcast_in_dim3A_497, %select_n3A_466 : vector<16xi1>, vector<16xf32>
      %add3A_499 = arith.constant 15 : i32
      %add3A_500 = arith.addi %add3A_21, %add3A_499 : i32
      %get3A_501 = arith.index_cast %add3A_500 : i32 to index
      %get3A_502 = arith.constant 0 : index
      %get3A_503 = tpu.vector_load %arg9[%get3A_501, %get3A_502] {strides = array<i32>} : memref<512x32xf32, #tpu.memory_space<vmem>>, vector<16xf32>,
      %add3A_504 = arith.constant 15 : i32
      %add3A_505 = arith.addi %add3A_21, %add3A_504 : i32
      %get3A_506 = arith.index_cast %add3A_505 : i32 to index
      %get3A_507 = arith.constant 16 : index
      %get3A_508 = tpu.vector_load %arg9[%get3A_506, %get3A_507] {strides = array<i32>} : memref<512x32xf32, #tpu.memory_space<vmem>>, vector<16xf32>,
      %add3A_509 = arith.constant 15 : i32
      %add3A_510 = arith.addi %add3A_21, %add3A_509 : i32
      %get3A_511 = arith.index_cast %add3A_510 : i32 to index
      %get3A_512 = arith.constant 0 : index
      %get3A_513 = tpu.vector_load %arg10[%get3A_511, %get3A_512] {strides = array<i32>} : memref<512x32xf32, #tpu.memory_space<vmem>>, vector<16xf32>,
      %add3A_514 = arith.constant 15 : i32
      %add3A_515 = arith.addi %add3A_21, %add3A_514 : i32
      %get3A_516 = arith.index_cast %add3A_515 : i32 to index
      %get3A_517 = arith.constant 16 : index
      %get3A_518 = tpu.vector_load %arg10[%get3A_516, %get3A_517] {strides = array<i32>} : memref<512x32xf32, #tpu.memory_space<vmem>>, vector<16xf32>,
      %mul3A_519 = arith.mulf %get3A_503, %get3A_513 : vector<16xf32>
      %mul3A_520 = arith.mulf %get3A_508, %get3A_518 : vector<16xf32>
      %add3A_521 = arith.addf %mul3A_519, %mul3A_520 : vector<16xf32>
      %reduce_sum3A_522 = arith.constant true
      %reduce_sum3A_523 = vector.broadcast %reduce_sum3A_522 : i1 to vector<16xi1>
      %reduce_sum3A_524 = tpu.scan <sum>, %add3A_521 masked %reduce_sum3A_523 : vector<16xf32>, vector<16xi1> -> vector<16xf32>
      %reduce_sum3A_525 = vector.extract %reduce_sum3A_524[15] : f32 from vector<16xf32>
      %eq3A_526 = arith.constant 15 : i32
      %eq3A_527 = vector.broadcast %eq3A_526 : i32 to vector<16xi32>
      %eq3A_528 = arith.cmpi eq, %iota3A, %eq3A_527 : vector<16xi32>
      %broadcast_in_dim3A_529 = vector.broadcast %reduce_sum3A_525 : f32 to vector<16xf32>
      %select_n3A_530 = arith.select %eq3A_528, %broadcast_in_dim3A_529, %select_n3A_498 : vector<16xi1>, vector<16xf32>
      %swap3A = arith.index_cast %add3A_21 : i32 to index
      %swap3A_531 = tpu.vector_load %arg11[%swap3A] {strides = array<i32>} : memref<512xf32, #tpu.memory_space<vmem>>, vector<16xf32>,
      tpu.vector_store %arg11[%swap3A], %select_n3A_530 {strides = array<i32>} : memref<512xf32, #tpu.memory_space<vmem>>, vector<16xf32>,
    }
    %scan3A_16 = arith.constant 32 : i32
    "tpu.region"() ({
      %run_scoped3A = tpu.sem_alloc : memref<!tpu.dma_semaphore, #tpu.memory_space<semaphore_mem>>
      %dma_start3A_17 = tpu.memref_slice %arg6[%mul3A_2] : memref<16384xf32, #tpu.memory_space<hbm>> -> memref<512xf32, #tpu.memory_space<hbm>>
      %dma_start3A_18 = tpu.memref_slice %arg6[%mul3A_2] : memref<16384xf32, #tpu.memory_space<hbm>> -> memref<512xf32, #tpu.memory_space<hbm>>
      tpu.enqueue_dma source(%arg11 : memref<512xf32, #tpu.memory_space<vmem>>) target(%dma_start3A_18 : memref<512xf32, #tpu.memory_space<hbm>>) target_semaphore(%run_scoped3A : memref<!tpu.dma_semaphore, #tpu.memory_space<semaphore_mem>>)
      %dma_wait3A_19 = tpu.memref_slice %arg6[%mul3A_2] : memref<16384xf32, #tpu.memory_space<hbm>> -> memref<512xf32, #tpu.memory_space<hbm>>
      %dma_wait3A_20 = tpu.memref_slice %arg6[%mul3A_2] : memref<16384xf32, #tpu.memory_space<hbm>> -> memref<512xf32, #tpu.memory_space<hbm>>
      tpu.wait_dma2 semaphore(%run_scoped3A : memref<!tpu.dma_semaphore, #tpu.memory_space<semaphore_mem>>) src(%arg11 : memref<512xf32, #tpu.memory_space<vmem>>) dst(%dma_wait3A_20 : memref<512xf32, #tpu.memory_space<hbm>>)
      tpu.yield
    }) : () -> ()
    return
  }
}

</mosaic_0001>

<sc_bundles>
// kernel: kernel.3.cloned.1.call-start
scs
__scs_entry_jumppad:
0x0: {  	(pc) =	sbr.rel $0x88, $3  }
0x1: {  	(tag) =	ssettag $0x0;
	lr =	simm.s32 $0x1  }
0x2: {  	[smem:$0x3F9D] =	sst lr;
	_ =	strace $0xD0000000  }
0x3: {  	_ = 	snop  }
0x4: {  	_ = 	snop  }
0x5: {  	_ = 	snop  }
0x6: {  	_ = 	snop  }
0x7: {  	_ = 	snop  }
__scs_overlays_trampoline_lowered:
0x8: {  	[smem:$0x3FAC] =	sst s0  }
0x9: {  	[smem:$0x3FAD] =	sst s1  }
0xa: {  	[smem:$0x3FAE] =	sst s2  }
0xb: {  	[smem:$0x3FAF] =	sst s3  }
0xc: {  	[smem:$0x3FB0] =	sst s4  }
0xd: {  	[smem:$0x3FB1] =	sst s5  }
0xe: {  	[smem:$0x3FB2] =	sst s6  }
0xf: {  	[smem:$0x3FB3] =	sst s7  }
0x10: {  	[smem:$0x3FB4] =	sst s8  }
0x11: {  	[smem:$0x3FB5] =	sst s9;
	s0 =	simm.s32 @!p0 $0x0  }
0x12: {  	s1 =	sld [smem:$0x3F9B];
	s0 =	simm.s32 @p0 $0x1  }
0x13: {  	[smem:$0x3FB6] =	sst s0;
	s0 =	simm.s32 @!p1 $0x0  }
0x14: {  	s2 =	sld [smem:$0x3F9A];
	s0 =	simm.s32 @p1 $0x1  }
0x15: {  	[smem:$0x3FB7] =	sst s0;
	s0 =	simm.s32 @!p2 $0x0  }
0x16: {  	s3 =	sld [smem:$0x3FDB];
	s0 =	simm.s32 @p2 $0x1  }
0x17: {  	s4 =	simm.s32 $0x1BF5;
	[smem:$0x3FB9] =	sst s0  }
0x18: {  	s0 =	sld [smem:$0x3F9C];
	_ =	swait.ge [sflag:s4], $0x0  }
0x19: {  	s7 =	sld [smem:$0x3F9D]  }
0x1a: {  	s8 =	sadd.s32 $0xFFFFE003, lr  }
0x1b: {  	s9 =	sadd.s32 $0xFFFFFEF7, lr;
	s5 =	simm.s32 $0xFFFFFFFF;
	p2 =	slt.u32 s8, $0xFFFFF086  }
0x1c: {  	p1 =	slt.u32 s9, $0xF7A;
	s5 =	simm.s32 @!p2 $0x0  }
0x1d: {  	s5 =	simm.s32 @p1 $0x1;
	p0 =	seq.s32 s7, s2  }
0x1e: {  	s7 =	smul.u32 @!p0 $0xF7A, s2;
	p2 =	seq.s32 @!p0 s5, $0x0  }
0x1f: {  	s9 =	smul.u32 $0xF7A, s1;
	s8 =	simm.s32 @!p0 $0x1BF5;
	p2 =	por !p2, p0  }
0x20: {  	[sflag:s8] =	ssyncset.s32 @!p0 $0xFFFFF086;
	s6 =	sadd.s32 @!p0 s3, s7;
	s7 =	simm.s32 @!p0 $0x108  }
0x21: {  	s3 =	sadd.s32 s3, s9;
	s6 =	sadd.s32 @!p0 $0x88, s6;
	s7 =	simm.s32 @p2 $0x1082  }
0x22: {  	[simem:s7], [sflag:s8] =	dma.local @!p0 [hbm:s6], $0xF7A  }
0x23: {  	s9 =	sor.u32 $0xD0000000, s2;
	s6 =	simm.s32 $0x108;
	_ =	swait.ge @!p0 [sflag:s8], $0x0  }
0x24: {  	s3 =	sadd.s32 $0x88, s3;
	s6 =	simm.s32 @!p1 $0x1082;
	[sflag:s4] =	ssyncset.s32 $0xFFFFF086  }
0x25: {  	[simem:s6], [sflag:s4] =	dma.local [hbm:s3], $0xF7A  }
0x26: {  	[smem:$0x3F9D] =	sst s1;
	(tag) =	ssettag s2;
	_ =	strace s9  }
0x27: {  	s1 =	sld [smem:$0x3FAD]  }
0x28: {  	s2 =	sld [smem:$0x3FAE]  }
0x29: {  	s4 =	sld [smem:$0x3FB0]  }
0x2a: {  	p0 =	seq.s32 s5, $0x0;
	s5 =	sld [smem:$0x3FB1]  }
0x2b: {  	s6 =	sld [smem:$0x3FB2]  }
0x2c: {  	s7 =	sld [smem:$0x3FB3]  }
0x2d: {  	s3 =	simm.s32 $0x108;
	s8 =	sld [smem:$0x3FB4]  }
0x2e: {  	s3 =	simm.s32 @!p0 $0x1082;
	s9 =	sld [smem:$0x3FB5]  }
0x2f: {  	lr =	sadd.s32 s0, s3;
	s0 =	sld [smem:$0x3FAC]  }
0x30: {  	s3 =	sld [smem:$0x3FAF]  }
0x31: {  	[smem:$0x3FB8] =	sst s10  }
0x32: {  	s10 =	sld [smem:$0x3FB6];
	_ =	sdelay $0x3  }
0x33: {  	p0 =	seq.s32 s10, $0x1;
	s10 =	sld [smem:$0x3FB8];
	_ =	sdelay $0x3  }
0x34: {  	[smem:$0x3FB8] =	sst s10  }
0x35: {  	s10 =	sld [smem:$0x3FB7];
	_ =	sdelay $0x3  }
0x36: {  	p1 =	seq.s32 s10, $0x1;
	s10 =	sld [smem:$0x3FB8];
	_ =	sdelay $0x3  }
0x37: {  	[smem:$0x3FB8] =	sst s10  }
0x38: {  	s10 =	sld [smem:$0x3FB9]  }
0x39: {  	_ = 	snop;
	(pc) =	sbr.ind lr, $3  }
0x3a: {  	_ = 	snop  }
0x3b: {  	_ = 	snop  }
0x3c: {  	p2 =	seq.s32 s10, $0x1;
	s10 =	sld [smem:$0x3FB8]  }
0x3d: {  	_ =	shalt  }
0x3e: {  	_ =	shalt  }
0x3f: {  	_ =	shalt  }
0x40: {  	_ =	shalt  }
0x41: {  	_ =	shalt  }
0x42: {  	_ =	shalt  }
0x43: {  	_ =	shalt  }
0x44: {  	_ =	shalt  }
0x45: {  	_ =	shalt  }
0x46: {  	_ =	shalt  }
0x47: {  	_ =	shalt  }
0x48: {  	_ =	shalt  }
0x49: {  	_ =	shalt  }
0x4a: {  	_ =	shalt  }
0x4b: {  	_ =	shalt  }
0x4c: {  	_ =	shalt  }
0x4d: {  	_ =	shalt  }
0x4e: {  	_ =	shalt  }
0x4f: {  	_ =	shalt  }
0x50: {  	_ =	shalt  }
0x51: {  	_ =	shalt  }
0x52: {  	_ =	shalt  }
0x53: {  	_ =	shalt  }
0x54: {  	_ =	shalt  }
0x55: {  	_ =	shalt  }
0x56: {  	_ =	shalt  }
0x57: {  	_ =	shalt  }
0x58: {  	_ =	shalt  }
0x59: {  	_ =	shalt  }
0x5a: {  	_ =	shalt  }
0x5b: {  	_ =	shalt  }
0x5c: {  	_ =	shalt  }
0x5d: {  	_ =	shalt  }
0x5e: {  	_ =	shalt  }
0x5f: {  	_ =	shalt  }
0x60: {  	_ =	shalt  }
0x61: {  	_ =	shalt  }
0x62: {  	_ =	shalt  }
0x63: {  	_ =	shalt  }
0x64: {  	_ =	shalt  }
0x65: {  	_ =	shalt  }
0x66: {  	_ =	shalt  }
0x67: {  	_ =	shalt  }
0x68: {  	_ =	shalt  }
0x69: {  	_ =	shalt  }
0x6a: {  	_ =	shalt  }
0x6b: {  	_ =	shalt  }
0x6c: {  	_ =	shalt  }
0x6d: {  	_ =	shalt  }
0x6e: {  	_ =	shalt  }
0x6f: {  	_ =	shalt  }
0x70: {  	_ =	shalt  }
0x71: {  	_ =	shalt  }
0x72: {  	_ =	shalt  }
0x73: {  	_ =	shalt  }
0x74: {  	_ =	shalt  }
0x75: {  	_ =	shalt  }
0x76: {  	_ =	shalt  }
0x77: {  	_ =	shalt  }
0x78: {  	_ =	shalt  }
0x79: {  	_ =	shalt  }
0x7a: {  	_ =	shalt  }
0x7b: {  	_ =	shalt  }
0x7c: {  	_ =	shalt  }
0x7d: {  	_ =	shalt  }
0x7e: {  	_ =	shalt  }
0x7f: {  	_ =	shalt  }
0x80: {  	_ =	shalt  }
0x81: {  	_ =	shalt  }
0x82: {  	_ =	shalt  }
0x83: {  	_ =	shalt  }
0x84: {  	_ =	shalt  }
0x85: {  	_ =	shalt  }
0x86: {  	_ =	shalt  }
0x87: {  	_ =	shalt  }
.Lfunc_end0:
.L_simem_size_0:
called_computation_lowered:
.L_overlay_start_0:
0x88: {  	s2 =	sld [smem:$0x3FD9]  }
0x89: {  	s3 =	sld [smem:$0x3FFE];
	_ =	sdelay $0x1  }
0x8a: {  	s1 =	srdreg.scid  }
0x8b: {  	s0 =	sand.u32 $0x1, s1  }
0x8c: {  	s17 =	sshll.u32 s0, $0xA;
	s2 =	sadd.s32 s3, s2  }
0x8d: {  	s2 =	sadd.s32 s2, s17  }
0x8e: {  	[smem:$0x3FC4] =	sst s2  }
0x8f: {  	_ = 	snop  }
0x90: {  	s2 =	sld [smem:$0x3FC9]  }
0x91: {  	s18 =	sld [smem:$0x3FC8]  }
0x92: {  	s4 =	sld [smem:$0x3FD0];
	(tm) =	ssettm $0x1  }
0x93: {  	s5 =	sld [smem:$0x3FFB];
	_ =	sdelay $0x3  }
0x94: {  	_ =	strace s5  }
0x95: {  	s5 =	sld [smem:$0x3FFC];
	_ =	sdelay $0x3  }
0x96: {  	_ =	strace s5  }
0x97: {  	s5 =	sld [smem:$0x3FFD];
	_ =	sdelay $0x3  }
0x98: {  	_ =	strace s5  }
0x99: {  	_ =	strace $0x8FFFFFFF  }
0x9a: {  	s19 =	sld [smem:$0x3FDB];
	_ =	sdelay $0x1  }
0x9b: {  	s6 =	simm.s32 $_scs_section_size  }
0x9c: {  	s7 =	simm.s32 $_size__tile_overlayer_lowered;
	s8 =	simm.s32 $_tile_overlayer_lowered  }
0x9d: {  	s22 =	simm.s32 $0x1BFF;
	s21 =	sshll.u32 s8, $0x1;
	s5 =	sadd.s32 s6, s19  }
0x9e: {  	s9 =	simm.s32 $0x0;
	s20 =	sshll.u32 s7, $0x1;
	s7 =	sadd.s32 s21, s5  }
0x9f: {  	[timem:s9], [sflag:s22] =	dma.local [hbm:s7], s20  }
0xa0: {  	_ =	swait.ge [sflag:s22], s20  }
0xa1: {  	s6 =	ssub.s32 $0x0, s20;
	[sflag:s22] =	ssyncset.done $0x0  }
0xa2: {  	[sflag:s22] =	ssyncadd.s32 s6;
	_ =	sdelay $0x1  }
0xa3: {  	s23 =	simm.s32 $0x1B8B  }
0xa4: {  	_ =	swait.ge [sflag:s23], $0x1  }
0xa5: {  	[sflag:s23] =	ssyncset.done $0x0  }
0xa6: {  	s25 =	simm.s32 $0x1B8E;
	s24 =	sld [smem:$0x3FFE];
	[sflag:s23] =	ssyncadd.s32 $0xFFFFFFFF  }
0xa7: {  	s26 =	simm.s32 $execute0_lowered;
	[smem:$0x3FD2] =	sst s25  }
0xa8: {  	s7 =	sshll.u32 s26, $0x1;
	_ =	strace $0x80000046;
	[dreg:$0x1] =	wrdreg $0xFFFFFFFF  }
0xa9: {  	s28 =	simm.s32 $_size_execute0_lowered;
	s5 =	sadd.s32 s5, s7;
	[dreg:$0x0] =	wrdreg $0x0  }
0xaa: {  	s7 =	sshll.u32 s28, $0x1;
	[dreg:$0x2] =	wrdreg s5  }
0xab: {  	[dreg:$0x3] =	wrdreg s7  }
0xac: {  	[dreg:$0x4] =	wrdreg $0xC0  }
0xad: {  	_ =	task [dreg:s9], $0x5FFFF  }
0xae: {  	[dreg:$0x1] =	wrdreg $0xFFFFFFFF  }
0xaf: {  	[dreg:$0x0] =	wrdreg $0x60  }
0xb0: {  	[dreg:$0x2] =	wrdreg s2  }
0xb1: {  	[dreg:$0x3] =	wrdreg s18  }
0xb2: {  	[dreg:$0x4] =	wrdreg s24  }
0xb3: {  	[dreg:$0x5] =	wrdreg s4  }
0xb4: {  	[dreg:$0x6] =	wrdreg $0x9  }
0xb5: {  	_ =	task.clear_ibuf [dreg:s9], $0x7FFFF;
	_ =	strace $0x90000046  }
0xb6: {  	s29 =	simm.s32 $0x9;
	_ =	strace $0x80000048  }
0xb7: {  	_ =	swait.ge [sflag:s29], $0x1  }
0xb8: {  	[sflag:s29] =	ssyncadd.s32 $0xFFFFFFFF  }
0xb9: {  	_ =	strace $0x90000048  }
0xba: {  	_ =	sfence  }
0xbb: {  	s30 =	sld [smem:$0x0];
	_ =	sdelay $0x2  }
0xbc: {  	s31 =	sshll.u32 s1, $0xD;
	s1 =	sshrl.u32 s1, $0x2  }
0xbd: {  	s3 =	sand.u32 $0x4000, s31;
	s1 =	sadd.s32 s1, s30  }
0xbe: {  	s0 =	sor.u32 s3, s0;
	s1 =	sshll.u32 s1, $0x11  }
0xbf: {  	s0 =	sor.u32 s1, s0  }
0xc0: {  	s0 =	sadd.s32 $0x8F2B, s0  }
0xc1: {  	[sflag:s0] =	ssyncadd.remote.s32 $0x1  }
0xc2: {  	_ =	sfence.sel $0xFFFF  }
0xc3: {  	[dreg:$0x0] =	wrdreg $0xFFFFFFFF;
	(pc) =	sbr.abs _section_cstart, $3  }
0xc4: {  	[dreg:$0x1] =	wrdreg $0xFFFFFFFF  }
0xc5: {  	_ =	task.clear_ibuf [dreg:s9], $0x2FFFF;
	_ =	strace $0x9FFFFFFF  }
0xc6: {  	(tm) =	ssettm $0x7FFFFFFF  }
0xc7: {  	_ =	shalt  }
tec
execute0_lowered:
.L_overlay_start_1:
0x0: {  	(tag) =	ssettag $0x1  }
0x1: {  	s5 =	rddreg [dreg:$0x0]  }
0x2: {  	s6 =	rddreg [dreg:$0x1]  }
0x3: {  	s4 =	rddreg [dreg:$0x2]  }
0x4: {  	s7 =	rddreg [dreg:$0x3]  }
0x5: {  	s0 =	rddreg [dreg:$0x4];
	s1 =	simm.s32 $0x0;
	s2 =	srdreg.scid  }
0x6: {  	s12 =	simm.s32 $0x4400;
	s13 =	simm.s32 $0x1;
	s14 =	simm.s32 $0x2  }
0x7: {  	s15 =	simm.s32 $0x8400;
	s16 =	simm.s32 $0x0;
	[smem:$0x7FF] =	sst s1  }
0x8: {  	s8 =	sand.u32 $0x1, s2;
	s3 =	sadd.s32 $0xF42A00, s4;
	s2 =	stileid.u32  }
0x9: {  	vm0 =	vmmov $0x1;
	vm1 =	vmmov $0x3;
	vm2 =	vmmov $0x7;
	s4 =	sadd.s32 $0x187000, s4;
	_ =	strace $0x80000047;
	s9 =	ssub.s32 $0x2, s8  }
0xa: {  	vm3 =	vmmov $0xf;
	vm4 =	vmmov $0x1f;
	vm5 =	vmmov $0x3f;
	s11 =	sshll.u32 s2, $0x7;
	s8 =	sshll.u32 s8, $0x6;
	s10 =	sshrl.u32 s9, $0x1  }
0xb: {  	vm6 =	vmmov $0x7f;
	vm7 =	vmmov $0xff;
	vm8 =	vmmov $0x1ff;
	s8 =	sor.u32 s8, s11;
	s11 =	simm.s32 $0x400;
	s9 =	ssub.s32 s9, s10  }
0xc: {  	vm9 =	vmmov $0x3ff;
	vm10 =	vmmov $0x7ff;
	vm11 =	vmmov $0xfff;
	s5 =	sadd.s32 s5, s8;
	s6 =	sadd.s32 s6, s8;
	s7 =	sadd.s32 s7, s8  }
0xd: {  	vm12 =	vmmov $0x1fff;
	vm13 =	vmmov $0x3fff;
	vm14 =	vmmov $0x7fff;
	s10 =	simm.s32 $0x200;
	s8 =	smax.u32 s9, $0x1;
	s9 =	simm.s32 $0x3  }
.LBB2_1:
0xe: {  	[tilespmem:s1], [sflag:$0x3] =	stream.linear.gather [hbm4b:s5+s1], $0x200, $0x38;
	[tilespmem:$0x8600] =	vst v63  }
0xf: {  	_ =	swait.ge [sflag:s9], $0x200  }
0x10: {  	[sflag:s9] =	ssyncset.done $0x0  }
0x11: {  	[sflag:s9] =	ssyncadd.s32 $0xFFFFFE00  }
0x12: {  	[tilespmem:s10], [sflag:$0x3] =	stream.linear.gather [hbm4b:s6+s1], $0x200, $0x38;
	[tilespmem:$0x8600] =	vst v63  }
0x13: {  	_ =	swait.ge [sflag:s9], $0x200  }
0x14: {  	[sflag:s9] =	ssyncset.done $0x0  }
0x15: {  	[sflag:s9] =	ssyncadd.s32 $0xFFFFFE00  }
0x16: {  	[tilespmem:s11], [sflag:$0x1] =	stream.indirect.gather [hbm4b:s3+s10], $0x20, s1, s10, $0xb8;
	[tilespmem:$0x8600] =	vst v63  }
0x17: {  	_ = 	snop  }
0x18: {  	[tilespmem:s12], [sflag:$0x2] =	stream.indirect.gather [hbm4b:s4+s10], $0x20, s10, s10, $0xb8;
	[tilespmem:$0x8600] =	vst v63  }
0x19: {  	_ =	swait.ge [sflag:s13], $0x4000  }
0x1a: {  	[sflag:s13] =	ssyncset.done $0x0  }
0x1b: {  	[sflag:s13] =	ssyncadd.s32 $0xFFFFC000  }
0x1c: {  	_ =	swait.ge [sflag:s14], $0x4000  }
0x1d: {  	[sflag:s14] =	ssyncset.done $0x0  }
0x1e: {  	s17 =	simm.s32 $0x0;
	[sflag:s14] =	ssyncadd.s32 $0xFFFFC000  }
0x1f: {  	v0 =	vld [tilespmem:s17+$0x5C0]  }
0x20: {  	v1 =	vld [tilespmem:s17+$0x45C0]  }
0x21: {  	v2 =	vld [tilespmem:s17+$0x5D0]  }
0x22: {  	v3 =	vld [tilespmem:s17+$0x45D0]  }
0x23: {  	v4 =	vld [tilespmem:s17+$0x5A0]  }
0x24: {  	v5 =	vld [tilespmem:s17+$0x580]  }
0x25: {  	v6 =	vld [tilespmem:s17+$0x4580]  }
0x26: {  	v7 =	vld [tilespmem:s17+$0x590]  }
0x27: {  	v8 =	vld [tilespmem:s17+$0x4590]  }
0x28: {  	v9 =	vld [tilespmem:s17+$0x560]  }
0x29: {  	v10 =	vld [tilespmem:s17+$0x4560]  }
0x2a: {  	v11 =	vld [tilespmem:s17+$0x570]  }
0x2b: {  	v12 =	vld [tilespmem:s17+$0x4570]  }
0x2c: {  	v13 =	vld [tilespmem:s17+$0x540]  }
0x2d: {  	v14 =	vld [tilespmem:s17+$0x520]  }
0x2e: {  	v15 =	vld [tilespmem:s17+$0x4520]  }
0x2f: {  	v16 =	vld [tilespmem:s17+$0x530]  }
0x30: {  	v17 =	vld [tilespmem:s17+$0x4530]  }
0x31: {  	v18 =	vld [tilespmem:s17+$0x500]  }
0x32: {  	v19 =	vld [tilespmem:s17+$0x4500]  }
0x33: {  	v20 =	vld [tilespmem:s17+$0x510]  }
0x34: {  	v21 =	vld [tilespmem:s17+$0x4510]  }
0x35: {  	v22 =	vld [tilespmem:s17+$0x4E0]  }
0x36: {  	v23 =	vld [tilespmem:s17+$0x4C0]  }
0x37: {  	v24 =	vld [tilespmem:s17+$0x44C0]  }
0x38: {  	v25 =	vld [tilespmem:s17+$0x4D0]  }
0x39: {  	v26 =	vld [tilespmem:s17+$0x44D0]  }
0x3a: {  	v27 =	vld [tilespmem:s17+$0x4A0]  }
0x3b: {  	v28 =	vld [tilespmem:s17+$0x44A0]  }
0x3c: {  	v29 =	vld [tilespmem:s17+$0x4B0]  }
0x3d: {  	v30 =	vld [tilespmem:s17+$0x44B0]  }
0x3e: {  	v31 =	vld [tilespmem:s17+$0x480]  }
0x3f: {  	v32 =	vld [tilespmem:s17+$0x460]  }
0x40: {  	v33 =	vld [tilespmem:s17+$0x4460]  }
0x41: {  	v34 =	vld [tilespmem:s17+$0x470]  }
0x42: {  	v35 =	vld [tilespmem:s17+$0x4470]  }
0x43: {  	v36 =	vld [tilespmem:s17+$0x440]  }
0x44: {  	v37 =	vld [tilespmem:s17+$0x4440]  }
0x45: {  	v38 =	vld [tilespmem:s17+$0x450]  }
0x46: {  	v39 =	vld [tilespmem:s17+$0x4450]  }
0x47: {  	v40 =	vld [tilespmem:s17+$0x4400]  }
0x48: {  	v41 =	vld [tilespmem:s17+$0x400]  }
0x49: {  	v0 =	vmul.f32 v1, v0;
	v1 =	vmul.f32 v3, v2;
	v2 =	vld [tilespmem:s17+$0x410]  }
0x4a: {  	v3 =	vmul.f32 v6, v5;
	v5 =	vmul.f32 v8, v7;
	v6 =	vld [tilespmem:s17+$0x4410]  }
0x4b: {  	v7 =	vmul.f32 v12, v11;
	v8 =	vld [tilespmem:s17+$0x420];
	v0 =	vadd.f32 v1, v0;
	v1 =	vmul.f32 v10, v9  }
0x4c: {  	v11 =	vld [tilespmem:s17+$0x430];
	v3 =	vadd.f32 v5, v3;
	v5 =	vmul.f32 v15, v14;
	v9 =	vmul.f32 v17, v16  }
0x4d: {  	v12 =	vld [tilespmem:s17+$0x4430];
	(xrf2) =	vadd.scan.msk.f32 $0xffff, v0;
	v0 =	vadd.f32 v7, v1;
	v1 =	vmul.f32 v19, v18;
	v7 =	vmul.f32 v21, v20  }
0x4e: {  	v10 =	vld [tilespmem:s17+$0x4420];
	(xrf2) =	vadd.scan.msk.f32 $0xffff, v3;
	v3 =	vadd.f32 v9, v5;
	v5 =	vmul.f32 v24, v23;
	v9 =	vmul.f32 v26, v25  }
0x4f: {  	v14 =	vld [tilespmem:s17+$0x4480];
	(xrf2) =	vadd.scan.msk.f32 $0xffff, v0;
	v0 =	vadd.f32 v7, v1;
	v1 =	vmul.f32 v28, v27;
	v7 =	vmul.f32 v30, v29  }
0x50: {  	v15 =	vld [tilespmem:s17+$0x490];
	(xrf2) =	vadd.scan.msk.f32 $0xffff, v3;
	v3 =	vadd.f32 v9, v5;
	v5 =	vmul.f32 v33, v32;
	v9 =	vmul.f32 v35, v34  }
0x51: {  	v16 =	vld [tilespmem:s17+$0x4490];
	(xrf2) =	vadd.scan.msk.f32 $0xffff, v0;
	v0 =	vadd.f32 v7, v1;
	v1 =	vmul.f32 v37, v36;
	v7 =	vmul.f32 v39, v38  }
0x52: {  	v2 =	vmul.f32 v6, v2;
	v6 =	vld [tilespmem:s17+$0x44E0];
	(xrf2) =	vadd.scan.msk.f32 $0xffff, v3;
	v3 =	vadd.f32 v9, v5  }
0x53: {  	v5 =	vmul.f32 v40, v41;
	(xrf2) =	vadd.scan.msk.f32 $0xffff, v0;
	v0 =	vadd.f32 v7, v1;
	v1 =	vmul.f32 v10, v8;
	v8 =	vld [tilespmem:s17+$0x4F0]  }
0x54: {  	v7 =	vmul.f32 v12, v11;
	v10 =	vld [tilespmem:s17+$0x4550]  }
0x55: {  	(xrf2) =	vadd.scan.msk.f32 $0xffff, v3;
	v2 =	vadd.f32 v2, v5;
	v3 =	vld [tilespmem:s17+$0x44F0]  }
0x56: {  	(xrf2) =	vadd.scan.msk.f32 $0xffff, v0;
	v0 =	vadd.f32 v7, v1;
	v1 =	vld [tilespmem:s17+$0x4540]  }
0x57: {  	v5 =	vmul.f32 v16, v15;
	v7 =	vld [tilespmem:s17+$0x550];
	(xrf2) =	vadd.scan.msk.f32 $0xffff, v2;
	v2 =	vmul.f32 v14, v31  }
0x58: {  	v14 =	vld [tilespmem:s17+$0x45B0]  }
0x59: {  	v9, _, _ =	vpop (xrf2);
	(xrf2) =	vadd.scan.msk.f32 $0xffff, v0;
	v2 =	vadd.f32 v5, v2;
	v5 =	vld [tilespmem:s17+$0x45A0]  }
0x5a: {  	v6 =	vmul.f32 v6, v22;
	v0, _, _ =	vpop (xrf2);
	v3 =	vmul.f32 v3, v8;
	v8 =	vld [tilespmem:s17+$0x5B0]  }
0x5b: {  	v11, _, _ =	vpop (xrf2)  }
0x5c: {  	v12, _, _ =	vpop (xrf2);
	v3 =	vadd.f32 v3, v6  }
0x5d: {  	(xrf2) =	vadd.scan.msk.f32 $0xffff, v2;
	v2, _, _ =	vpop (xrf2)  }
0x5e: {  	v1 =	vmul.f32 v1, v13;
	v7 =	vmul.f32 v10, v7;
	v15, _, _ =	vpop (xrf2)  }
0x5f: {  	v4 =	vmul.f32 v5, v4;
	v13, _, _ =	vpop (xrf2);
	v5 =	vmul.f32 v14, v8  }
0x60: {  	v10 =	vld [tilespmem:s17+$0x45E0];
	(xrf2) =	vadd.scan.msk.f32 $0xffff, v3;
	v3, _, _ =	vpop (xrf2)  }
0x61: {  	v6 =	vld [tilespmem:s17+$0x5E0];
	v1 =	vadd.f32 v7, v1;
	v17, _, _ =	vpop (xrf2)  }
0x62: {  	v16 =	vld [tilespmem:s17+$0x5F0];
	v8, _, _ =	vpop (xrf2)  }
0x63: {  	v7 =	vld [tilespmem:s17+$0x45F0];
	(xrf2) =	vadd.scan.msk.f32 $0xffff, v1;
	v1 =	vadd.f32 v5, v4;
	v5, _, _ =	vpop (xrf2)  }
0x64: {  	v5 =	vbroadcast v5, $0xF;
	_ =	sdelay $0x1  }
0x65: {  	v4 =	vmul.f32 v10, v6;
	v6 =	vbroadcast v8, $0xF  }
0x66: {  	v8 =	vbroadcast v17, $0xF  }
0x67: {  	v3 =	vbroadcast v3, $0xF;
	v7 =	vmul.f32 v7, v16;
	(xrf2) =	vadd.scan.msk.f32 $0xffff, v1;
	v1 =	vsel vm0, v6, v5;
	v5, _, _ =	vpop (xrf2)  }
0x68: {  	v1 =	vsel vm1, v1, v8;
	v5 =	vbroadcast v5, $0xF  }
0x69: {  	v4 =	vadd.f32 v7, v4;
	v1 =	vsel vm2, v1, v3;
	v3 =	vbroadcast v13, $0xF  }
0x6a: {  	v6, _, _ =	vpop (xrf2);
	v1 =	vsel vm3, v1, v5;
	v5 =	vbroadcast v15, $0xF  }
0x6b: {  	v1 =	vsel vm4, v1, v3;
	v3 =	vbroadcast v6, $0xF  }
0x6c: {  	v2 =	vbroadcast v2, $0xF;
	(xrf2) =	vadd.scan.msk.f32 $0xffff, v4;
	v1 =	vsel vm5, v1, v5  }
0x6d: {  	v4, _, _ =	vpop (xrf2);
	v1 =	vsel vm6, v1, v3;
	v3 =	vbroadcast v12, $0xF  }
0x6e: {  	v1 =	vsel vm7, v1, v2;
	v2 =	vbroadcast v4, $0xF  }
0x6f: {  	v1 =	vsel vm8, v1, v3;
	v3 =	vbroadcast v11, $0xF  }
0x70: {  	v0 =	vbroadcast v0, $0xF;
	v1 =	vsel vm9, v1, v2  }
0x71: {  	v1 =	vsel vm10, v1, v3  }
0x72: {  	v2, _, _ =	vpop (xrf2);
	v0 =	vsel vm11, v1, v0;
	v1 =	vbroadcast v9, $0xF  }
0x73: {  	v2 =	vbroadcast v2, $0xF;
	_ =	sdelay $0x1  }
0x74: {  	v0 =	vsel vm12, v0, v2  }
0x75: {  	v0 =	vsel vm13, v0, v1;
	v1, _, _ =	vpop (xrf2)  }
0x76: {  	v0 =	vsel vm14, v0, v1  }
0x77: {  	s18 =	simm.s32 $0x200;
	[tilespmem:s15+$0x0] =	vst v0  }
0x78: {  	v2 =	vld [tilespmem:s18+$0x5C0]  }
0x79: {  	v3 =	vld [tilespmem:s18+$0x45C0]  }
0x7a: {  	v5 =	vld [tilespmem:s18+$0x5D0]  }
0x7b: {  	v6 =	vld [tilespmem:s18+$0x45D0]  }
0x7c: {  	v0 =	vld [tilespmem:s18+$0x5A0]  }
0x7d: {  	v7 =	vld [tilespmem:s18+$0x580]  }
0x7e: {  	v8 =	vld [tilespmem:s18+$0x4580]  }
0x7f: {  	v9 =	vld [tilespmem:s18+$0x590]  }
0x80: {  	v10 =	vld [tilespmem:s18+$0x4590]  }
0x81: {  	v11 =	vld [tilespmem:s18+$0x560]  }
0x82: {  	v12 =	vld [tilespmem:s18+$0x4560]  }
0x83: {  	v13 =	vld [tilespmem:s18+$0x570]  }
0x84: {  	v14 =	vld [tilespmem:s18+$0x4570]  }
0x85: {  	v1 =	vld [tilespmem:s18+$0x540]  }
0x86: {  	v15 =	vld [tilespmem:s18+$0x520]  }
0x87: {  	v16 =	vld [tilespmem:s18+$0x4520]  }
0x88: {  	v17 =	vld [tilespmem:s18+$0x530]  }
0x89: {  	v18 =	vld [tilespmem:s18+$0x4530]  }
0x8a: {  	v19 =	vld [tilespmem:s18+$0x500]  }
0x8b: {  	v54 =	vld [tilespmem:s18+$0x4500]  }
0x8c: {  	v55 =	vld [tilespmem:s18+$0x510]  }
0x8d: {  	v56 =	vld [tilespmem:s18+$0x4510]  }
0x8e: {  	v4 =	vld [tilespmem:s18+$0x4E0]  }
0x8f: {  	v57 =	vld [tilespmem:s18+$0x4C0]  }
0x90: {  	v58 =	vld [tilespmem:s18+$0x44C0]  }
0x91: {  	v59 =	vld [tilespmem:s18+$0x4D0]  }
0x92: {  	v60 =	vld [tilespmem:s18+$0x44D0];
	v2 =	vmul.f32 v3, v2;
	v3 =	vmul.f32 v6, v5  }
0x93: {  	v61 =	vld [tilespmem:s18+$0x4A0];
	v6 =	vmul.f32 v8, v7;
	v8 =	vmul.f32 v10, v9  }
0x94: {  	v62 =	vld [tilespmem:s18+$0x44A0];
	v2 =	vadd.f32 v3, v2  }
0x95: {  	v63 =	vld [tilespmem:s18+$0x4450];
	v9 =	vmul.f32 v14, v13;
	v3 =	vmul.f32 v12, v11;
	v6 =	vadd.f32 v8, v6  }
0x96: {  	v5 =	vld [tilespmem:s18+$0x4B0];
	v8 =	vmul.f32 v16, v15;
	v11 =	vmul.f32 v18, v17;
	(xrf2) =	vadd.scan.msk.f32 $0xffff, v2  }
0x97: {  	v10 =	vld [tilespmem:s18+$0x44B0];
	v2 =	vadd.f32 v9, v3;
	(xrf2) =	vadd.scan.msk.f32 $0xffff, v6  }
0x98: {  	v7 =	vld [tilespmem:s18+$0x480];
	v3 =	vadd.f32 v11, v8  }
0x99: {  	v13 =	vld [tilespmem:s18+$0x460];
	(xrf2) =	vadd.scan.msk.f32 $0xffff, v2  }
0x9a: {  	v14 =	vld [tilespmem:s18+$0x4460];
	v2 =	vmul.f32 v54, v19;
	(xrf2) =	vadd.scan.msk.f32 $0xffff, v3;
	v3 =	vmul.f32 v56, v55  }
0x9b: {  	v16 =	vld [tilespmem:s18+$0x440]  }
0x9c: {  	v11 =	vld [tilespmem:s18+$0x4470];
	v3 =	vadd.f32 v3, v2  }
0x9d: {  	v12 =	vmul.f32 v58, v57;
	v15 =	vmul.f32 v60, v59;
	v6 =	vld [tilespmem:s18+$0x470]  }
0x9e: {  	v17 =	vld [tilespmem:s18+$0x4440];
	(xrf2) =	vadd.scan.msk.f32 $0xffff, v3  }
0x9f: {  	v18 =	vld [tilespmem:s18+$0x450];
	v15 =	vadd.f32 v15, v12  }
0xa0: {  	v8 =	vld [tilespmem:s18+$0x4400];
	v5 =	vmul.f32 v10, v5;
	v19 =	vmul.f32 v62, v61;
	v2, _, _ =	vpop (xrf2)  }
0xa1: {  	v9 =	vld [tilespmem:s18+$0x400];
	v3, _, _ =	vpop (xrf2);
	(xrf2) =	vadd.scan.msk.f32 $0xffff, v15  }
0xa2: {  	v12 =	vld [tilespmem:s18+$0x4410];
	v19 =	vadd.f32 v5, v19;
	v6 =	vmul.f32 v11, v6  }
0xa3: {  	v10 =	vld [tilespmem:s18+$0x410];
	v14 =	vmul.f32 v14, v13  }
0xa4: {  	v13 =	vld [tilespmem:s18+$0x4420];
	(xrf2) =	vadd.scan.msk.f32 $0xffff, v19  }
0xa5: {  	v11 =	vld [tilespmem:s18+$0x420];
	v15 =	vadd.f32 v6, v14;
	v5, _, _ =	vpop (xrf2)  }
0xa6: {  	s19 =	simm.s32 $0x1000;
	s17 =	simm.s32 $0x8400;
	v16 =	vmul.f32 v17, v16;
	v17 =	vmul.f32 v63, v18;
	v14 =	vld [tilespmem:s18+$0x430];
	v6, _, _ =	vpop (xrf2)  }
.LBB2_2:
0xa7: {  	p0 =	sne.s32 s19, $0xF800;
	v18 =	vld [tilespmem:s18+$0x4430];
	(xrf2) =	vadd.scan.msk.f32 $0xffff, v15  }
0xa8: {  	v19 =	vadd.f32 v17, v16;
	v16 =	vld [tilespmem:s18+$0x4480];
	v17, _, _ =	vpop (xrf2)  }
0xa9: {  	v8 =	vmul.f32 v8, v9;
	v9 =	vmul.f32 v12, v10;
	v10 =	vld [tilespmem:s18+$0x490]  }
0xaa: {  	v12 =	vld [tilespmem:s18+$0x4490];
	(xrf2) =	vadd.scan.msk.f32 $0xffff, v19  }
0xab: {  	v8 =	vadd.f32 v9, v8;
	v9 =	vld [tilespmem:s18+$0x44E0];
	v15, _, _ =	vpop (xrf2)  }
0xac: {  	v11 =	vmul.f32 v13, v11;
	v19 =	vmul.f32 v18, v14;
	v14 =	vld [tilespmem:s18+$0x4F0]  }
0xad: {  	v18 =	vld [tilespmem:s18+$0x44F0];
	(xrf2) =	vadd.scan.msk.f32 $0xffff, v8  }
0xae: {  	v8 =	vadd.f32 v19, v11;
	v11 =	vld [tilespmem:s18+$0x4540];
	v13, _, _ =	vpop (xrf2)  }
0xaf: {  	v7 =	vmul.f32 v16, v7;
	v19 =	vmul.f32 v12, v10;
	v12 =	vld [tilespmem:s18+$0x550]  }
0xb0: {  	v16 =	vld [tilespmem:s18+$0x4550];
	(xrf2) =	vadd.scan.msk.f32 $0xffff, v8  }
0xb1: {  	v7 =	vadd.f32 v19, v7;
	v8 =	vld [tilespmem:s18+$0x45A0];
	v10, _, _ =	vpop (xrf2)  }
0xb2: {  	v4 =	vmul.f32 v9, v4;
	v19 =	vmul.f32 v18, v14;
	v14 =	vld [tilespmem:s18+$0x5B0]  }
0xb3: {  	v18 =	vld [tilespmem:s18+$0x45B0];
	(xrf2) =	vadd.scan.msk.f32 $0xffff, v7  }
0xb4: {  	v4 =	vadd.f32 v19, v4;
	v7 =	vld [tilespmem:s18+$0x5E0];
	v9, _, _ =	vpop (xrf2)  }
0xb5: {  	v1 =	vmul.f32 v11, v1;
	v19 =	vmul.f32 v16, v12;
	v12 =	vld [tilespmem:s18+$0x45E0]  }
0xb6: {  	v16 =	vld [tilespmem:s18+$0x5F0];
	(xrf2) =	vadd.scan.msk.f32 $0xffff, v4  }
0xb7: {  	v1 =	vadd.f32 v19, v1;
	v4 =	vld [tilespmem:s18+$0x45F0];
	v11, _, _ =	vpop (xrf2)  }
0xb8: {  	v0 =	vmul.f32 v8, v0;
	v8 =	vmul.f32 v18, v14  }
0xb9: {  	(xrf2) =	vadd.scan.msk.f32 $0xffff, v1  }
0xba: {  	v0 =	vadd.f32 v8, v0;
	v1 =	vmul.f32 v12, v7;
	v7, _, _ =	vpop (xrf2)  }
0xbb: {  	v11 =	vbroadcast v11, $0xF;
	v7 =	vbroadcast v7, $0xF  }
0xbc: {  	v9 =	vbroadcast v9, $0xF;
	v4 =	vmul.f32 v4, v16;
	(xrf2) =	vadd.scan.msk.f32 $0xffff, v0  }
0xbd: {  	v0 =	vsel vm0, v11, v7;
	v7 =	vbroadcast v10, $0xF;
	v8, _, _ =	vpop (xrf2)  }
0xbe: {  	v0 =	vsel vm1, v0, v9;
	v9 =	vbroadcast v8, $0xF;
	v1 =	vadd.f32 v4, v1  }
0xbf: {  	v4 =	vbroadcast v13, $0xF;
	v0 =	vsel vm2, v0, v7  }
0xc0: {  	v7 =	vbroadcast v15, $0xF;
	v0 =	vsel vm3, v0, v9;
	v8, _, _ =	vpop (xrf2);
	(xrf2) =	vadd.scan.msk.f32 $0xffff, v1  }
0xc1: {  	v0 =	vsel vm4, v0, v4;
	v1 =	vbroadcast v8, $0xF  }
0xc2: {  	v4 =	vbroadcast v17, $0xF;
	v0 =	vsel vm5, v0, v7  }
0xc3: {  	v0 =	vsel vm6, v0, v1;
	v1 =	vbroadcast v6, $0xF;
	v6, _, _ =	vpop (xrf2)  }
0xc4: {  	v0 =	vsel vm7, v0, v4;
	v6 =	vbroadcast v6, $0xF  }
0xc5: {  	v0 =	vsel vm8, v0, v1;
	v1 =	vbroadcast v5, $0xF  }
0xc6: {  	v3 =	vbroadcast v3, $0xF;
	v0 =	vsel vm9, v0, v6;
	v4, _, _ =	vpop (xrf2)  }
0xc7: {  	v0 =	vsel vm10, v0, v1;
	v4 =	vbroadcast v4, $0xF  }
0xc8: {  	v2 =	vbroadcast v2, $0xF;
	v0 =	vsel vm11, v0, v3  }
0xc9: {  	v0 =	vsel vm12, v0, v4  }
0xca: {  	v0 =	vsel vm13, v0, v2;
	v1, _, _ =	vpop (xrf2)  }
0xcb: {  	s17 =	sadd.s32 $0x10, s17;
	v0 =	vsel vm14, v0, v1  }
0xcc: {  	s18 =	sshra.s32 s19, $0x2;
	[tilespmem:s17+$0x0] =	vst v0  }
0xcd: {  	v2 =	vld [tilespmem:s18+$0x5C0]  }
0xce: {  	v3 =	vld [tilespmem:s18+$0x45C0]  }
0xcf: {  	v5 =	vld [tilespmem:s18+$0x5D0]  }
0xd0: {  	v6 =	vld [tilespmem:s18+$0x45D0]  }
0xd1: {  	v0 =	vld [tilespmem:s18+$0x5A0]  }
0xd2: {  	v7 =	vld [tilespmem:s18+$0x580]  }
0xd3: {  	v8 =	vld [tilespmem:s18+$0x4580]  }
0xd4: {  	v9 =	vld [tilespmem:s18+$0x590]  }
0xd5: {  	v10 =	vld [tilespmem:s18+$0x4590]  }
0xd6: {  	v11 =	vld [tilespmem:s18+$0x560]  }
0xd7: {  	v12 =	vld [tilespmem:s18+$0x4560]  }
0xd8: {  	v13 =	vld [tilespmem:s18+$0x570]  }
0xd9: {  	v14 =	vld [tilespmem:s18+$0x4570]  }
0xda: {  	v1 =	vld [tilespmem:s18+$0x540]  }
0xdb: {  	v15 =	vld [tilespmem:s18+$0x520]  }
0xdc: {  	v16 =	vld [tilespmem:s18+$0x4520]  }
0xdd: {  	v17 =	vld [tilespmem:s18+$0x530]  }
0xde: {  	v18 =	vld [tilespmem:s18+$0x4530]  }
0xdf: {  	v19 =	vld [tilespmem:s18+$0x500]  }
0xe0: {  	v20 =	vld [tilespmem:s18+$0x4500]  }
0xe1: {  	v21 =	vld [tilespmem:s18+$0x510]  }
0xe2: {  	v22 =	vld [tilespmem:s18+$0x4510]  }
0xe3: {  	v2 =	vmul.f32 v3, v2;
	v3 =	vmul.f32 v6, v5;
	v4 =	vld [tilespmem:s18+$0x4E0]  }
0xe4: {  	v5 =	vld [tilespmem:s18+$0x4C0]  }
0xe5: {  	v2 =	vadd.f32 v3, v2;
	v6 =	vld [tilespmem:s18+$0x44C0]  }
0xe6: {  	v7 =	vmul.f32 v8, v7;
	v8 =	vmul.f32 v10, v9;
	v3 =	vld [tilespmem:s18+$0x4D0]  }
0xe7: {  	v9 =	vld [tilespmem:s18+$0x44D0];
	(xrf2) =	vadd.scan.msk.f32 $0xffff, v2  }
0xe8: {  	v2 =	vadd.f32 v8, v7;
	v10 =	vld [tilespmem:s18+$0x4A0]  }
0xe9: {  	v7 =	vmul.f32 v12, v11;
	v8 =	vmul.f32 v14, v13;
	v23 =	vld [tilespmem:s18+$0x44A0]  }
0xea: {  	v11 =	vld [tilespmem:s18+$0x4B0];
	(xrf2) =	vadd.scan.msk.f32 $0xffff, v2  }
0xeb: {  	v2 =	vadd.f32 v8, v7;
	v12 =	vld [tilespmem:s18+$0x44B0]  }
0xec: {  	v13 =	vmul.f32 v18, v17;
	v8 =	vmul.f32 v16, v15;
	v7 =	vld [tilespmem:s18+$0x480]  }
0xed: {  	v14 =	vld [tilespmem:s18+$0x460];
	(xrf2) =	vadd.scan.msk.f32 $0xffff, v2  }
0xee: {  	v24 =	vadd.f32 v13, v8;
	v15 =	vld [tilespmem:s18+$0x4460]  }
0xef: {  	v16 =	vmul.f32 v22, v21;
	v8 =	vmul.f32 v20, v19;
	v13 =	vld [tilespmem:s18+$0x470]  }
0xf0: {  	v17 =	vld [tilespmem:s18+$0x4470];
	(xrf2) =	vadd.scan.msk.f32 $0xffff, v24  }
0xf1: {  	v8 =	vadd.f32 v16, v8;
	v18 =	vld [tilespmem:s18+$0x440];
	v2, _, _ =	vpop (xrf2)  }
0xf2: {  	v5 =	vmul.f32 v6, v5;
	v6 =	vmul.f32 v9, v3;
	v16 =	vld [tilespmem:s18+$0x4440]  }
0xf3: {  	v19 =	vld [tilespmem:s18+$0x450];
	(xrf2) =	vadd.scan.msk.f32 $0xffff, v8  }
0xf4: {  	v21 =	vadd.f32 v6, v5;
	v20 =	vld [tilespmem:s18+$0x4450];
	v3, _, _ =	vpop (xrf2)  }
0xf5: {  	v6 =	vmul.f32 v23, v10;
	v11 =	vmul.f32 v12, v11;
	v8 =	vld [tilespmem:s18+$0x4400]  }
0xf6: {  	v9 =	vld [tilespmem:s18+$0x400];
	(xrf2) =	vadd.scan.msk.f32 $0xffff, v21  }
.Ltmp0:
0xf7: {  	v21 =	vadd.f32 v11, v6;
	v10 =	vld [tilespmem:s18+$0x410];
	v5, _, _ =	vpop (xrf2);
	(pc) =	sbr.rel @p0 .LBB2_2-.Ltmp0, $4  }
0xf8: {  	v14 =	vmul.f32 v15, v14;
	v15 =	vmul.f32 v17, v13;
	v12 =	vld [tilespmem:s18+$0x4410]  }
0xf9: {  	v11 =	vld [tilespmem:s18+$0x420];
	(xrf2) =	vadd.scan.msk.f32 $0xffff, v21  }
0xfa: {  	v15 =	vadd.f32 v15, v14;
	v13 =	vld [tilespmem:s18+$0x4420];
	v6, _, _ =	vpop (xrf2)  }
0xfb: {  	s19 =	sadd.s32 $0x800, s19;
	v16 =	vmul.f32 v16, v18;
	v17 =	vmul.f32 v20, v19;
	v14 =	vld [tilespmem:s18+$0x430]  }
0xfc: {  	v18 =	vld [tilespmem:s18+$0x4430]  }
0xfd: {  	v19 =	vld [tilespmem:s18+$0x4480]  }
0xfe: {  	v20 =	vld [tilespmem:s18+$0x490]  }
0xff: {  	v21 =	vld [tilespmem:s18+$0x4490]  }
0x100: {  	v8 =	vmul.f32 v8, v9;
	v63 =	vld [tilespmem:s18+$0x44E0];
	v62 =	vmul.f32 v12, v10  }
0x101: {  	v24 =	vld [tilespmem:s18+$0x4F0];
	v22 =	vadd.f32 v17, v16;
	v11 =	vmul.f32 v13, v11;
	v23 =	vmul.f32 v18, v14  }
0x102: {  	(xrf2) =	vadd.scan.msk.f32 $0xffff, v15;
	v25 =	vld [tilespmem:s18+$0x44F0];
	v8 =	vadd.f32 v62, v8  }
0x103: {  	v26 =	vld [tilespmem:s18+$0x4540];
	(xrf2) =	vadd.scan.msk.f32 $0xffff, v22;
	v11 =	vadd.f32 v23, v11  }
0x104: {  	v28 =	vld [tilespmem:s18+$0x550];
	(xrf2) =	vadd.scan.msk.f32 $0xffff, v8;
	v7 =	vmul.f32 v19, v7;
	v27 =	vmul.f32 v21, v20  }
0x105: {  	v29 =	vld [tilespmem:s18+$0x4550];
	(xrf2) =	vadd.scan.msk.f32 $0xffff, v11  }
0x106: {  	v30 =	vld [tilespmem:s18+$0x45A0];
	v7 =	vadd.f32 v27, v7  }
0x107: {  	v31 =	vld [tilespmem:s18+$0x5B0];
	v4 =	vmul.f32 v63, v4;
	v9 =	vmul.f32 v25, v24  }
0x108: {  	v32 =	vld [tilespmem:s18+$0x45B0];
	(xrf2) =	vadd.scan.msk.f32 $0xffff, v7  }
0x109: {  	v34 =	vld [tilespmem:s18+$0x5E0];
	v33, _, _ =	vpop (xrf2);
	v4 =	vadd.f32 v9, v4  }
0x10a: {  	v37 =	vld [tilespmem:s18+$0x45E0];
	v35, _, _ =	vpop (xrf2);
	v1 =	vmul.f32 v26, v1;
	v36 =	vmul.f32 v29, v28  }
0x10b: {  	v39 =	vld [tilespmem:s18+$0x5F0];
	v38, _, _ =	vpop (xrf2);
	(xrf2) =	vadd.scan.msk.f32 $0xffff, v4  }
0x10c: {  	v41 =	vld [tilespmem:s18+$0x45F0];
	v1 =	vadd.f32 v36, v1;
	v40, _, _ =	vpop (xrf2)  }
0x10d: {  	v0 =	vmul.f32 v30, v0;
	v43 =	vmul.f32 v32, v31;
	v42, _, _ =	vpop (xrf2)  }
0x10e: {  	(xrf2) =	vadd.scan.msk.f32 $0xffff, v1;
	v44, _, _ =	vpop (xrf2)  }
0x10f: {  	v45 =	vmul.f32 v37, v34;
	v0 =	vadd.f32 v43, v0;
	v46, _, _ =	vpop (xrf2)  }
0x110: {  	v47 =	vbroadcast v44, $0xF;
	v8 =	vbroadcast v46, $0xF  }
0x111: {  	v49 =	vmul.f32 v41, v39;
	(xrf2) =	vadd.scan.msk.f32 $0xffff, v0;
	v48 =	vbroadcast v42, $0xF  }
0x112: {  	v4 =	vbroadcast v40, $0xF;
	v51, _, _ =	vpop (xrf2);
	v50 =	vsel vm0, v47, v8  }
0x113: {  	v1 =	vadd.f32 v49, v45;
	v8 =	vbroadcast v51, $0xF;
	v0 =	vsel vm1, v50, v48  }
0x114: {  	v52 =	vbroadcast v38, $0xF;
	v0 =	vsel vm2, v0, v4  }
0x115: {  	v53 =	vbroadcast v35, $0xF;
	v54, _, _ =	vpop (xrf2);
	(xrf2) =	vadd.scan.msk.f32 $0xffff, v1;
	v0 =	vsel vm3, v0, v8  }
0x116: {  	v55 =	vbroadcast v54, $0xF;
	v0 =	vsel vm4, v0, v52  }
0x117: {  	v56 =	vbroadcast v33, $0xF;
	v0 =	vsel vm5, v0, v53  }
0x118: {  	v57 =	vbroadcast v6, $0xF;
	v58, _, _ =	vpop (xrf2);
	v0 =	vsel vm6, v0, v55  }
0x119: {  	v59 =	vbroadcast v58, $0xF;
	v0 =	vsel vm7, v0, v56  }
0x11a: {  	v60 =	vbroadcast v5, $0xF;
	v0 =	vsel vm8, v0, v57  }
0x11b: {  	v3 =	vbroadcast v3, $0xF;
	v61, _, _ =	vpop (xrf2);
	v0 =	vsel vm9, v0, v59  }
0x11c: {  	v62 =	vbroadcast v61, $0xF;
	v0 =	vsel vm10, v0, v60  }
0x11d: {  	v2 =	vbroadcast v2, $0xF;
	v0 =	vsel vm11, v0, v3  }
0x11e: {  	v0 =	vsel vm12, v0, v62  }
0x11f: {  	s16 =	sadd.s32 $0x1, s16;
	v63, _, _ =	vpop (xrf2);
	v0 =	vsel vm13, v0, v2  }
0x120: {  	s17 =	sadd.s32 $0x10, s17;
	p0 =	sne.s32 s16, s8;
	v0 =	vsel vm14, v0, v63  }
.Ltmp1:
0x121: {  	[tilespmem:s17+$0x0] =	vst v0;
	(pc) =	sbr.rel @p0 .LBB2_1-.Ltmp1, $4  }
0x122: {  	[hbm4b:s7+s1] =	stream.linear.scatter [tilespmem:s15], [sflag:$0x3], $0x200, $0x38;
	[tilespmem:$0x8600] =	vst v63  }
0x123: {  	_ =	swait.ge [sflag:s9], $0x200  }
0x124: {  	[sflag:s9] =	ssyncset.done $0x0  }
0x125: {  	[sflag:s9] =	ssyncadd.s32 $0xFFFFFE00  }
0x126: {  	_ =	sfence.sel $0x180000  }
0x127: {  	[bflag:$0x0] =	sbarrier.arrive $0xFFFF  }
0x128: {  	p0 =	sne.s32 s2, $0x0;
	_ =	strace $0x90000047  }
0x129: {  	s0 =	sadd.s32 @!p0 $0x100000, s0;
	[bflag:$0x2] =	sbarrier.arrive $0xFFFF  }
0x12a: {  	[sflag:s0] =	ssyncadd.tile.s32 @!p0 $0x1;
	_ =	shalt  }
.Lfunc_end2:
_tile_overlayer_lowered:
.L_overlay_start_2:
0x12b: {  	(tag) =	ssettag $0x2  }
0x12c: {  	s0 =	rddreg [dreg:$0x0];
	s2 =	stileid.u32  }
0x12d: {  	s1 =	rddreg [dreg:$0x1];
	p0 =	sne.s32 s2, $0x0  }
0x12e: {  	s3 =	rddreg [dreg:$0x2];
	[bflag:$0x3] =	sbarrier.arrive $0xFFFF;
	s2 =	simm.s32 @!p0 $0x1C03  }
0x12f: {  	[timem:s3], [sflag:s2] =	dma.local @!p0 [hbm:s0], s1  }
0x130: {  	s0 =	simm.s32 @!p0 $0x3  }
0x131: {  	_ =	swait.ge @!p0 [sflag:s0], s1  }
0x132: {  	s1 =	ssub.s32 @!p0 $0x0, s1;
	[sflag:s0] =	ssyncset.done @!p0 $0x0  }
0x133: {  	[sflag:s0] =	ssyncadd.s32 @!p0 s1  }
0x134: {  	[bflag:$0x3] =	sbarrier.arrive $0xFFFF  }
0x135: {  	_ =	shalt  }

</sc_bundles>
